<compile_context>
chip_gen: v7x
topology: tpu7x:2x2x1
jax: 0.10.2.dev20260603
libtpu: 0.0.44.dev20260713+nightly
codegen_flags: <defaults>
</compile_context>

<pallas_src>
import functools

import jax
import jax.numpy as jnp
import numpy as np
from jax import lax
from jax.experimental import pallas as pl
from jax.experimental.pallas import tpu as pltpu
from jax.experimental.pallas import tpu_sc as plsc

F32 = jnp.float32
I32 = jnp.int32

NV = 6890
NN = 689
KINF = 3
NEIGH = 18
NC = 2
NS = 16
NW = NC * NS
L = 16

VCHUNK = 224
NVP = VCHUNK * NW
NNP = 704
NPAIR = NN * NEIGH
PCHUNK = 400
NPP = PCHUNK * NW

B_W = NV + 6
B_T = B_W + NV + 6
B_I = B_T + NN + 15
BROW = 21760


def _rodrigues_body(rv_ref, out_ref):
    eps = jnp.asarray(1e-8, F32)
    rx = rv_ref[0:1, :]
    ry = rv_ref[1:2, :]
    rz = rv_ref[2:3, :]
    ang = jnp.sqrt((rx + eps) ** 2 + (ry + eps) ** 2 + (rz + eps) ** 2)
    ax = rx / ang
    ay = ry / ang
    az = rz / ang
    c = jnp.cos(ang)
    s = jnp.sin(ang)
    oc = 1.0 - c
    r00 = c + oc * ax * ax
    r01 = oc * ax * ay - s * az
    r02 = oc * ax * az + s * ay
    r10 = oc * ax * ay + s * az
    r11 = c + oc * ay * ay
    r12 = oc * ay * az - s * ax
    r20 = oc * ax * az - s * ay
    r21 = oc * ay * az + s * ax
    r22 = c + oc * az * az
    z = jnp.zeros_like(r00)
    out_ref[...] = jnp.concatenate(
        [r00, r01, r02, r10, r11, r12, r20, r21, r22, z, z, z, z, z, z, z],
        axis=0,
    )


_rodrigues = pl.pallas_call(
    _rodrigues_body,
    out_shape=jax.ShapeDtypeStruct((16, NNP), F32),
)


def _reduce_body(x_ref, o_ref):
    o_ref[0, 0] = jnp.sum(x_ref[...]) / jnp.asarray(float(NN), F32)


_reduce = pl.pallas_call(
    _reduce_body,
    out_shape=jax.ShapeDtypeStruct((1, 1), F32),
    out_specs=pl.BlockSpec(memory_space=pltpu.SMEM),
)


def _sc_body(*refs):
    (big_h, r_h, nidx_h, rep_h, ring_h,
     ox_h, oy_h, oz_h, loss_h,
     vxl, vyl, vzl) = refs[:12]
    rl = refs[12:21]
    (txl, tyl, tzl, nidxl,
     nxl, nyl, nzl, pxl, pyl, pzl, bxl, byl, bzl,
     i0l, i1l, i2l, w0l, w1l,
     oxl, oyl, ozl, repl, ringl, accs, sem) = refs[21:]

    wid = lax.axis_index("s") * NC + lax.axis_index("c")
    vbase = pl.multiple_of(wid * VCHUNK, 8)
    pbase = pl.multiple_of(wid * PCHUNK, 8)

    copies = [
        pltpu.make_async_copy(big_h.at[pl.ds(0 * BROW, NVP)], vxl, sem),
        pltpu.make_async_copy(big_h.at[pl.ds(1 * BROW, NVP)], vyl, sem),
        pltpu.make_async_copy(big_h.at[pl.ds(2 * BROW, NVP)], vzl, sem),
        pltpu.make_async_copy(nidx_h, nidxl, sem),
    ]
    copies += [pltpu.make_async_copy(r_h.at[j], rl[j], sem)
               for j in range(9)]
    copies += [
        pltpu.make_async_copy(big_h.at[pl.ds(0 * BROW + B_T, NNP)], txl, sem),
        pltpu.make_async_copy(big_h.at[pl.ds(1 * BROW + B_T, NNP)], tyl, sem),
        pltpu.make_async_copy(big_h.at[pl.ds(2 * BROW + B_T, NNP)], tzl, sem),
        pltpu.make_async_copy(
            big_h.at[pl.ds(0 * BROW + B_I + vbase, VCHUNK)], i0l, sem),
        pltpu.make_async_copy(
            big_h.at[pl.ds(1 * BROW + B_I + vbase, VCHUNK)], i1l, sem),
        pltpu.make_async_copy(
            big_h.at[pl.ds(2 * BROW + B_I + vbase, VCHUNK)], i2l, sem),
        pltpu.make_async_copy(
            big_h.at[pl.ds(0 * BROW + B_W + vbase, VCHUNK)], w0l, sem),
        pltpu.make_async_copy(
            big_h.at[pl.ds(1 * BROW + B_W + vbase, VCHUNK)], w1l, sem),
        pltpu.make_async_copy(rep_h.at[pl.ds(pbase, PCHUNK)], repl, sem),
        pltpu.make_async_copy(ring_h.at[pl.ds(pbase, PCHUNK)], ringl, sem),
    ]
    for c in copies:
        c.start()
    for c in copies:
        c.wait()

    def prep(i, carry):
        s = pl.ds(i * L, L)
        nv = nidxl[s]
        nx = plsc.load_gather(vxl, [nv])
        ny = plsc.load_gather(vyl, [nv])
        nz = plsc.load_gather(vzl, [nv])
        nxl[s] = nx
        nyl[s] = ny
        nzl[s] = nz
        px = nx + txl[s]
        py = ny + tyl[s]
        pz = nz + tzl[s]
        pxl[s] = px
        pyl[s] = py
        pzl[s] = pz
        bxl[s] = px - (rl[0][s] * nx + rl[1][s] * ny + rl[2][s] * nz)
        byl[s] = py - (rl[3][s] * nx + rl[4][s] * ny + rl[5][s] * nz)
        bzl[s] = pz - (rl[6][s] * nx + rl[7][s] * ny + rl[8][s] * nz)
        return carry

    lax.fori_loop(0, NNP // L, prep, 0, unroll=False)

    ils = (i0l, i1l, i2l)

    def warp(i, carry):
        s = pl.ds(i * L, L)
        w0 = w0l[s]
        w1 = w1l[s]
        wks = (w0, w1, 1.0 - w0 - w1)
        zero = jnp.zeros((L,), F32)
        m = [zero] * 9
        cx = zero
        cy = zero
        cz = zero
        for k in range(KINF):
            nk = plsc.bitcast(ils[k][s], I32)
            wk = wks[k]
            for j in range(9):
                m[j] = m[j] + wk * plsc.load_gather(rl[j], [nk])
            cx = cx + wk * plsc.load_gather(bxl, [nk])
            cy = cy + wk * plsc.load_gather(byl, [nk])
            cz = cz + wk * plsc.load_gather(bzl, [nk])
        sv = pl.ds(vbase + i * L, L)
        vx = vxl[sv]
        vy = vyl[sv]
        vz = vzl[sv]
        oxl[s] = m[0] * vx + m[1] * vy + m[2] * vz + cx
        oyl[s] = m[3] * vx + m[4] * vy + m[5] * vz + cy
        ozl[s] = m[6] * vx + m[7] * vy + m[8] * vz + cz
        return carry

    lax.fori_loop(0, VCHUNK // L, warp, 0, unroll=False)

    out_copies = [
        pltpu.make_async_copy(oxl, ox_h.at[pl.ds(vbase, VCHUNK)], sem),
        pltpu.make_async_copy(oyl, oy_h.at[pl.ds(vbase, VCHUNK)], sem),
        pltpu.make_async_copy(ozl, oz_h.at[pl.ds(vbase, VCHUNK)], sem),
    ]
    for c in out_copies:
        c.start()

    def arap(i, acc):
        s = pl.ds(i * L, L)
        bi = repl[s]
        ri = ringl[s]
        bx = plsc.load_gather(bxl, [bi])
        by = plsc.load_gather(byl, [bi])
        bz = plsc.load_gather(bzl, [bi])
        px = plsc.load_gather(pxl, [ri])
        py = plsc.load_gather(pyl, [ri])
        pz = plsc.load_gather(pzl, [ri])
        nx = plsc.load_gather(nxl, [ri])
        ny = plsc.load_gather(nyl, [ri])
        nz = plsc.load_gather(nzl, [ri])
        g = [plsc.load_gather(rl[j], [bi]) for j in range(9)]
        dx = bx - px + (g[0] * nx + g[1] * ny + g[2] * nz)
        dy = by - py + (g[3] * nx + g[4] * ny + g[5] * nz)
        dz = bz - pz + (g[6] * nx + g[7] * ny + g[8] * nz)
        return acc + dx * dx + dy * dy + dz * dz

    acc = lax.fori_loop(0, PCHUNK // L, arap, jnp.zeros((L,), F32),
                        unroll=False)
    accs[...] = acc
    loss_copy = pltpu.make_async_copy(accs, loss_h.at[wid], sem)
    loss_copy.start()
    for c in out_copies:
        c.wait()
    loss_copy.wait()


_sc_main = functools.partial(
    pl.kernel,
    out_type=[
        jax.ShapeDtypeStruct((NVP,), F32),
        jax.ShapeDtypeStruct((NVP,), F32),
        jax.ShapeDtypeStruct((NVP,), F32),
        jax.ShapeDtypeStruct((NW, L), F32),
    ],
    mesh=plsc.VectorSubcoreMesh(
        core_axis_name="c", subcore_axis_name="s",
        num_cores=NC, num_subcores=NS,
    ),
    compiler_params=pltpu.CompilerParams(needs_layout_passes=False),
    scratch_types=(
        [pltpu.VMEM((NVP,), F32)] * 3
        + [pltpu.VMEM((NNP,), F32)] * 9
        + [pltpu.VMEM((NNP,), F32)] * 3
        + [pltpu.VMEM((NNP,), I32)]
        + [pltpu.VMEM((NNP,), F32)] * 9
        + [pltpu.VMEM((VCHUNK,), F32)] * 3
        + [pltpu.VMEM((VCHUNK,), F32)] * 2
        + [pltpu.VMEM((VCHUNK,), F32)] * 3
        + [pltpu.VMEM((PCHUNK,), I32)] * 2
        + [pltpu.VMEM((L,), F32)]
        + [pltpu.SemaphoreType.DMA]
    ),
)(_sc_body)


def _pad1(x, n):
    return jnp.pad(x, (0, n - x.shape[0]))


_Z6 = np.zeros((6, 3), np.float32)
_Z15 = np.zeros((15, 3), np.float32)


def kernel(vertices, opt_d_rotations, opt_d_translations, weights,
           nodes_idx, influence_nodes_idx, one_ring_neigh):
    v = vertices.astype(F32)
    w = weights.astype(F32)
    t = opt_d_translations.reshape(NN, 3).astype(F32)
    iif = lax.bitcast_convert_type(influence_nodes_idx.astype(I32), F32)
    cat = jnp.concatenate([v, _Z6, w, _Z6, t, _Z15, iif], axis=0)
    big = jnp.pad(cat.T, ((0, 0), (0, BROW - cat.shape[0]))).reshape(-1)

    rv = opt_d_rotations.reshape(NN, 3).astype(F32)
    rv8 = jnp.zeros((8, NNP), F32)
    rv8 = rv8.at[0, :NN].set(rv[:, 0])
    rv8 = rv8.at[1, :NN].set(rv[:, 1])
    rv8 = rv8.at[2, :NN].set(rv[:, 2])
    rmat = _rodrigues(rv8)

    nidx = _pad1(nodes_idx.astype(I32), NNP)
    rep = _pad1(jnp.repeat(jnp.arange(NN, dtype=I32), NEIGH), NPP)
    ring = _pad1(one_ring_neigh.astype(I32).reshape(-1), NPP)

    ox, oy, oz, lossp = _sc_main(big, rmat, nidx, rep, ring)

    warped = jnp.stack([ox[:NV], oy[:NV], oz[:NV]], axis=1)[None]
    loss = _reduce(lossp)[0, 0]
    return warped, loss

# --- scband reference (transcript-rebuilt; emitter-appended) ---
"""Pipeline reference for scband-deformation-graph-13271448945111 (READ-ONLY COPY).

The authoritative reference and input builder live on the scoring server;
editing this copy changes nothing except your own understanding.
"""

import jax, jax.numpy as jnp
import numpy as np

N_VERTS = 6890
N_NODES = 689
K = 3
MAX_NEIGH = 18


def batch_rodrigues(rvec):
    # rvec: [N, 3] axis-angle -> [N, 3, 3] rotation matrices (Rodrigues formula)
    angle = jnp.linalg.norm(rvec + 1e-8, axis=1, keepdims=True)  # [N,1]
    axis = rvec / angle  # [N,3]
    c = jnp.cos(angle)[..., None]  # [N,1,1]
    s = jnp.sin(angle)[..., None]  # [N,1,1]
    x, y, z = axis[:, 0], axis[:, 1], axis[:, 2]
    zeros = jnp.zeros_like(x)
    K_mat = jnp.stack([zeros, -z, y, z, zeros, -x, -y, x, zeros], axis=1).reshape(-1, 3, 3)
    outer = axis[:, :, None] * axis[:, None, :]
    eye = jnp.eye(3, dtype=rvec.dtype)[None]
    R = c * eye + (1.0 - c) * outer + s * K_mat
    return R


def setup_inputs(seed: int = 0):
    key = jax.random.key(seed)
    ks = jax.random.split(key, 8)
    vertices = jax.random.normal(ks[0], (N_VERTS, 3), dtype=jnp.float32)
    opt_d_rotations = jax.random.normal(ks[1], (1, N_NODES, 3), dtype=jnp.float32) * 0.1
    opt_d_translations = jax.random.normal(ks[2], (1, N_NODES, 3), dtype=jnp.float32) * 0.1
    nodes_idx = jax.random.randint(ks[3], (N_NODES,), 0, N_VERTS, dtype=jnp.int32).astype(jnp.int64)
    influence_nodes_idx = jax.random.randint(ks[4], (N_VERTS, K), 0, N_NODES, dtype=jnp.int32).astype(jnp.int64)
    w = jax.random.uniform(ks[5], (N_VERTS, K), dtype=jnp.float32) + 1e-3
    weights = w / w.sum(axis=1, keepdims=True)
    one_ring_neigh = jax.random.randint(ks[6], (N_NODES, MAX_NEIGH), 0, N_NODES, dtype=jnp.int32).astype(jnp.int64)
    return {
        'vertices': vertices,
        'opt_d_rotations': opt_d_rotations,
        'opt_d_translations': opt_d_translations,
        'weights': weights,
        'nodes_idx': nodes_idx,
        'influence_nodes_idx': influence_nodes_idx,
        'one_ring_neigh': one_ring_neigh,
    }


def reference(vertices, opt_d_rotations, opt_d_translations, weights, nodes_idx, influence_nodes_idx, one_ring_neigh):
    opt_d_rotmat = batch_rodrigues(opt_d_rotations[0])[None]  # [1, N_NODES, 3, 3]
    nodes = jnp.take(vertices, nodes_idx, axis=0)  # [N_NODES, 3]
    flat_inf = influence_nodes_idx.reshape((-1,))  # [N_VERTS*K]
    influence_nodes_v = jnp.take(nodes, flat_inf, axis=0)  # [N_VERTS*K, 3]
    opt_d_r = jnp.take(opt_d_rotmat[0], flat_inf, axis=0)  # [N_VERTS*K, 3, 3]
    opt_d_t = jnp.take(opt_d_translations[0], flat_inf, axis=0)  # [N_VERTS*K, 3]
    verts_rep = jnp.repeat(vertices, K, axis=0)  # [N_VERTS*K, 3]
    diff = (verts_rep - influence_nodes_v)[:, None, :]  # [B,1,3]
    rotated = jnp.einsum('bij,bkj->bki', opt_d_r, diff)[:, 0, :]
    warpped_vertices = (rotated + influence_nodes_v + opt_d_t).reshape((N_VERTS, K, 3)) * weights[:, :, None]
    warpped_vertices = warpped_vertices.sum(axis=1).astype(jnp.float32)
    flat_ring = one_ring_neigh.reshape((-1,))  # [N_NODES*MAX_NEIGH]
    t0 = opt_d_translations[0]
    term1 = jnp.repeat(nodes + t0, MAX_NEIGH, axis=0)
    term2 = jnp.take(nodes, flat_ring, axis=0) + jnp.take(t0, flat_ring, axis=0)
    rot_rep = jnp.repeat(opt_d_rotmat[0], MAX_NEIGH, axis=0)
    d = (jnp.repeat(nodes, MAX_NEIGH, axis=0) - jnp.take(nodes, flat_ring, axis=0))[:, None, :]
    term3 = jnp.einsum('bij,bkj->bki', rot_rep, d)[:, 0, :]
    diff_term = term1 - term2 - term3
    arap_loss = jnp.sum(diff_term ** 2) / nodes_idx.shape[0]
    return (warpped_vertices[None], arap_loss)

if __name__ == "__main__":
    import jax
    _d = setup_inputs()
    print(jax.jit(kernel)(*tuple(_d.values())))

</pallas_src>

<mosaic_0001>
#map = affine_map<(d0, d1) -> (0)>
#map1 = affine_map<(d0, d1) -> (0, 0)>
module attributes {stable_mosaic.version = 14 : i64} {
  func.func @_sc_body(%arg0: i32, %arg1: i32, %arg2: memref<65280xf32, #tpu.memory_space<hbm>>, %arg3: memref<16x704xf32, #tpu.memory_space<hbm>>, %arg4: memref<704xi32, #tpu.memory_space<hbm>>, %arg5: memref<12800xi32, #tpu.memory_space<hbm>>, %arg6: memref<12800xi32, #tpu.memory_space<hbm>>, %arg7: memref<7168xf32, #tpu.memory_space<hbm>>, %arg8: memref<7168xf32, #tpu.memory_space<hbm>>, %arg9: memref<7168xf32, #tpu.memory_space<hbm>>, %arg10: memref<32x16xf32, #tpu.memory_space<hbm>>, %arg11: memref<7168xf32, #tpu.memory_space<vmem>>, %arg12: memref<7168xf32, #tpu.memory_space<vmem>>, %arg13: memref<7168xf32, #tpu.memory_space<vmem>>, %arg14: memref<704xf32, #tpu.memory_space<vmem>>, %arg15: memref<704xf32, #tpu.memory_space<vmem>>, %arg16: memref<704xf32, #tpu.memory_space<vmem>>, %arg17: memref<704xf32, #tpu.memory_space<vmem>>, %arg18: memref<704xf32, #tpu.memory_space<vmem>>, %arg19: memref<704xf32, #tpu.memory_space<vmem>>, %arg20: memref<704xf32, #tpu.memory_space<vmem>>, %arg21: memref<704xf32, #tpu.memory_space<vmem>>, %arg22: memref<704xf32, #tpu.memory_space<vmem>>, %arg23: memref<704xf32, #tpu.memory_space<vmem>>, %arg24: memref<704xf32, #tpu.memory_space<vmem>>, %arg25: memref<704xf32, #tpu.memory_space<vmem>>, %arg26: memref<704xi32, #tpu.memory_space<vmem>>, %arg27: memref<704xf32, #tpu.memory_space<vmem>>, %arg28: memref<704xf32, #tpu.memory_space<vmem>>, %arg29: memref<704xf32, #tpu.memory_space<vmem>>, %arg30: memref<704xf32, #tpu.memory_space<vmem>>, %arg31: memref<704xf32, #tpu.memory_space<vmem>>, %arg32: memref<704xf32, #tpu.memory_space<vmem>>, %arg33: memref<704xf32, #tpu.memory_space<vmem>>, %arg34: memref<704xf32, #tpu.memory_space<vmem>>, %arg35: memref<704xf32, #tpu.memory_space<vmem>>, %arg36: memref<224xf32, #tpu.memory_space<vmem>>, %arg37: memref<224xf32, #tpu.memory_space<vmem>>, %arg38: memref<224xf32, #tpu.memory_space<vmem>>, %arg39: memref<224xf32, #tpu.memory_space<vmem>>, %arg40: memref<224xf32, #tpu.memory_space<vmem>>, %arg41: memref<224xf32, #tpu.memory_space<vmem>>, %arg42: memref<224xf32, #tpu.memory_space<vmem>>, %arg43: memref<224xf32, #tpu.memory_space<vmem>>, %arg44: memref<400xi32, #tpu.memory_space<vmem>>, %arg45: memref<400xi32, #tpu.memory_space<vmem>>, %arg46: memref<16xf32, #tpu.memory_space<vmem>>, %arg47: memref<!tpu.dma_semaphore, #tpu.memory_space<semaphore_mem>>) attributes {dimension_semantics = [#tpu.dimension_semantics<core_parallel>, #tpu.dimension_semantics<subcore_parallel>], iteration_bounds = array<i64: 2, 16>, scalar_prefetch = 0 : i64, scratch_operands = 37 : i64, tpu.core_type = #tpu.core_type<sc_vector_subcore>, window_params = [{transform_indices = #map}, {transform_indices = #map1}, {transform_indices = #map}, {transform_indices = #map}, {transform_indices = #map}, {transform_indices = #map}, {transform_indices = #map}, {transform_indices = #map}, {transform_indices = #map1}]} {
    %mul3A = arith.constant 2 : i32
    %mul3A_0 = arith.muli %arg1, %mul3A : i32
    %add3A = arith.addi %mul3A_0, %arg0 : i32
    %mul3A_1 = arith.constant 224 : i32
    %mul3A_2 = arith.muli %add3A, %mul3A_1 : i32
    %multiple_of3A = tpu.assume_multiple %mul3A_2, 8 : i32
    %mul3A_3 = arith.constant 400 : i32
    %mul3A_4 = arith.muli %add3A, %mul3A_3 : i32
    %multiple_of3A_5 = tpu.assume_multiple %mul3A_4, 8 : i32
    %add3A_6 = arith.constant 14496 : i32
    %add3A_7 = arith.addi %add3A_6, %multiple_of3A : i32
    %add3A_8 = arith.constant 36256 : i32
    %add3A_9 = arith.addi %add3A_8, %multiple_of3A : i32
    %add3A_10 = arith.constant 58016 : i32
    %add3A_11 = arith.addi %add3A_10, %multiple_of3A : i32
    %add3A_12 = arith.constant 6896 : i32
    %add3A_13 = arith.addi %add3A_12, %multiple_of3A : i32
    %add3A_14 = arith.constant 28656 : i32
    %add3A_15 = arith.addi %add3A_14, %multiple_of3A : i32
    %dma_start3A = arith.constant 0 : i32
    %dma_start3A_16 = tpu.memref_slice %arg2[%dma_start3A] : memref<65280xf32, #tpu.memory_space<hbm>> -> memref<7168xf32, #tpu.memory_space<hbm>>
    %dma_start3A_17 = arith.constant 0 : i32
    %dma_start3A_18 = tpu.memref_slice %arg2[%dma_start3A_17] : memref<65280xf32, #tpu.memory_space<hbm>> -> memref<7168xf32, #tpu.memory_space<hbm>>
    tpu.enqueue_dma source(%dma_start3A_18 : memref<7168xf32, #tpu.memory_space<hbm>>) target(%arg11 : memref<7168xf32, #tpu.memory_space<vmem>>) target_semaphore(%arg47 : memref<!tpu.dma_semaphore, #tpu.memory_space<semaphore_mem>>)
    %dma_start3A_19 = arith.constant 21760 : i32
    %dma_start3A_20 = tpu.memref_slice %arg2[%dma_start3A_19] : memref<65280xf32, #tpu.memory_space<hbm>> -> memref<7168xf32, #tpu.memory_space<hbm>>
    %dma_start3A_21 = arith.constant 21760 : i32
    %dma_start3A_22 = tpu.memref_slice %arg2[%dma_start3A_21] : memref<65280xf32, #tpu.memory_space<hbm>> -> memref<7168xf32, #tpu.memory_space<hbm>>
    tpu.enqueue_dma source(%dma_start3A_22 : memref<7168xf32, #tpu.memory_space<hbm>>) target(%arg12 : memref<7168xf32, #tpu.memory_space<vmem>>) target_semaphore(%arg47 : memref<!tpu.dma_semaphore, #tpu.memory_space<semaphore_mem>>)
    %dma_start3A_23 = arith.constant 43520 : i32
    %dma_start3A_24 = tpu.memref_slice %arg2[%dma_start3A_23] : memref<65280xf32, #tpu.memory_space<hbm>> -> memref<7168xf32, #tpu.memory_space<hbm>>
    %dma_start3A_25 = arith.constant 43520 : i32
    %dma_start3A_26 = tpu.memref_slice %arg2[%dma_start3A_25] : memref<65280xf32, #tpu.memory_space<hbm>> -> memref<7168xf32, #tpu.memory_space<hbm>>
    tpu.enqueue_dma source(%dma_start3A_26 : memref<7168xf32, #tpu.memory_space<hbm>>) target(%arg13 : memref<7168xf32, #tpu.memory_space<vmem>>) target_semaphore(%arg47 : memref<!tpu.dma_semaphore, #tpu.memory_space<semaphore_mem>>)
    tpu.enqueue_dma source(%arg4 : memref<704xi32, #tpu.memory_space<hbm>>) target(%arg26 : memref<704xi32, #tpu.memory_space<vmem>>) target_semaphore(%arg47 : memref<!tpu.dma_semaphore, #tpu.memory_space<semaphore_mem>>)
    %dma_start3A_27 = arith.constant 0 : i32
    %dma_start3A_28 = arith.constant 0 : i32
    %dma_start3A_29 = tpu.memref_slice %arg3[%dma_start3A_27, %dma_start3A_28] : memref<16x704xf32, #tpu.memory_space<hbm>> -> memref<1x704xf32, #tpu.memory_space<hbm>>
    %dma_start3A_30 = tpu.memref_squeeze %dma_start3A_29 : memref<1x704xf32, #tpu.memory_space<hbm>> -> memref<704xf32, #tpu.memory_space<hbm>>
    %dma_start3A_31 = arith.constant 0 : i32
    %dma_start3A_32 = tpu.memref_slice %arg3[%dma_start3A_27, %dma_start3A_31] : memref<16x704xf32, #tpu.memory_space<hbm>> -> memref<1x704xf32, #tpu.memory_space<hbm>>
    %dma_start3A_33 = tpu.memref_squeeze %dma_start3A_32 : memref<1x704xf32, #tpu.memory_space<hbm>> -> memref<704xf32, #tpu.memory_space<hbm>>
    tpu.enqueue_dma source(%dma_start3A_33 : memref<704xf32, #tpu.memory_space<hbm>>) target(%arg14 : memref<704xf32, #tpu.memory_space<vmem>>) target_semaphore(%arg47 : memref<!tpu.dma_semaphore, #tpu.memory_space<semaphore_mem>>)
    %dma_start3A_34 = arith.constant 1 : i32
    %dma_start3A_35 = arith.constant 0 : i32
    %dma_start3A_36 = tpu.memref_slice %arg3[%dma_start3A_34, %dma_start3A_35] : memref<16x704xf32, #tpu.memory_space<hbm>> -> memref<1x704xf32, #tpu.memory_space<hbm>>
    %dma_start3A_37 = tpu.memref_squeeze %dma_start3A_36 : memref<1x704xf32, #tpu.memory_space<hbm>> -> memref<704xf32, #tpu.memory_space<hbm>>
    %dma_start3A_38 = arith.constant 0 : i32
    %dma_start3A_39 = tpu.memref_slice %arg3[%dma_start3A_34, %dma_start3A_38] : memref<16x704xf32, #tpu.memory_space<hbm>> -> memref<1x704xf32, #tpu.memory_space<hbm>>
    %dma_start3A_40 = tpu.memref_squeeze %dma_start3A_39 : memref<1x704xf32, #tpu.memory_space<hbm>> -> memref<704xf32, #tpu.memory_space<hbm>>
    tpu.enqueue_dma source(%dma_start3A_40 : memref<704xf32, #tpu.memory_space<hbm>>) target(%arg15 : memref<704xf32, #tpu.memory_space<vmem>>) target_semaphore(%arg47 : memref<!tpu.dma_semaphore, #tpu.memory_space<semaphore_mem>>)
    %dma_start3A_41 = arith.constant 2 : i32
    %dma_start3A_42 = arith.constant 0 : i32
    %dma_start3A_43 = tpu.memref_slice %arg3[%dma_start3A_41, %dma_start3A_42] : memref<16x704xf32, #tpu.memory_space<hbm>> -> memref<1x704xf32, #tpu.memory_space<hbm>>
    %dma_start3A_44 = tpu.memref_squeeze %dma_start3A_43 : memref<1x704xf32, #tpu.memory_space<hbm>> -> memref<704xf32, #tpu.memory_space<hbm>>
    %dma_start3A_45 = arith.constant 0 : i32
    %dma_start3A_46 = tpu.memref_slice %arg3[%dma_start3A_41, %dma_start3A_45] : memref<16x704xf32, #tpu.memory_space<hbm>> -> memref<1x704xf32, #tpu.memory_space<hbm>>
    %dma_start3A_47 = tpu.memref_squeeze %dma_start3A_46 : memref<1x704xf32, #tpu.memory_space<hbm>> -> memref<704xf32, #tpu.memory_space<hbm>>
    tpu.enqueue_dma source(%dma_start3A_47 : memref<704xf32, #tpu.memory_space<hbm>>) target(%arg16 : memref<704xf32, #tpu.memory_space<vmem>>) target_semaphore(%arg47 : memref<!tpu.dma_semaphore, #tpu.memory_space<semaphore_mem>>)
    %dma_start3A_48 = arith.constant 3 : i32
    %dma_start3A_49 = arith.constant 0 : i32
    %dma_start3A_50 = tpu.memref_slice %arg3[%dma_start3A_48, %dma_start3A_49] : memref<16x704xf32, #tpu.memory_space<hbm>> -> memref<1x704xf32, #tpu.memory_space<hbm>>
    %dma_start3A_51 = tpu.memref_squeeze %dma_start3A_50 : memref<1x704xf32, #tpu.memory_space<hbm>> -> memref<704xf32, #tpu.memory_space<hbm>>
    %dma_start3A_52 = arith.constant 0 : i32
    %dma_start3A_53 = tpu.memref_slice %arg3[%dma_start3A_48, %dma_start3A_52] : memref<16x704xf32, #tpu.memory_space<hbm>> -> memref<1x704xf32, #tpu.memory_space<hbm>>
    %dma_start3A_54 = tpu.memref_squeeze %dma_start3A_53 : memref<1x704xf32, #tpu.memory_space<hbm>> -> memref<704xf32, #tpu.memory_space<hbm>>
    tpu.enqueue_dma source(%dma_start3A_54 : memref<704xf32, #tpu.memory_space<hbm>>) target(%arg17 : memref<704xf32, #tpu.memory_space<vmem>>) target_semaphore(%arg47 : memref<!tpu.dma_semaphore, #tpu.memory_space<semaphore_mem>>)
    %dma_start3A_55 = arith.constant 4 : i32
    %dma_start3A_56 = arith.constant 0 : i32
    %dma_start3A_57 = tpu.memref_slice %arg3[%dma_start3A_55, %dma_start3A_56] : memref<16x704xf32, #tpu.memory_space<hbm>> -> memref<1x704xf32, #tpu.memory_space<hbm>>
    %dma_start3A_58 = tpu.memref_squeeze %dma_start3A_57 : memref<1x704xf32, #tpu.memory_space<hbm>> -> memref<704xf32, #tpu.memory_space<hbm>>
    %dma_start3A_59 = arith.constant 0 : i32
    %dma_start3A_60 = tpu.memref_slice %arg3[%dma_start3A_55, %dma_start3A_59] : memref<16x704xf32, #tpu.memory_space<hbm>> -> memref<1x704xf32, #tpu.memory_space<hbm>>
    %dma_start3A_61 = tpu.memref_squeeze %dma_start3A_60 : memref<1x704xf32, #tpu.memory_space<hbm>> -> memref<704xf32, #tpu.memory_space<hbm>>
    tpu.enqueue_dma source(%dma_start3A_61 : memref<704xf32, #tpu.memory_space<hbm>>) target(%arg18 : memref<704xf32, #tpu.memory_space<vmem>>) target_semaphore(%arg47 : memref<!tpu.dma_semaphore, #tpu.memory_space<semaphore_mem>>)
    %dma_start3A_62 = arith.constant 5 : i32
    %dma_start3A_63 = arith.constant 0 : i32
    %dma_start3A_64 = tpu.memref_slice %arg3[%dma_start3A_62, %dma_start3A_63] : memref<16x704xf32, #tpu.memory_space<hbm>> -> memref<1x704xf32, #tpu.memory_space<hbm>>
    %dma_start3A_65 = tpu.memref_squeeze %dma_start3A_64 : memref<1x704xf32, #tpu.memory_space<hbm>> -> memref<704xf32, #tpu.memory_space<hbm>>
    %dma_start3A_66 = arith.constant 0 : i32
    %dma_start3A_67 = tpu.memref_slice %arg3[%dma_start3A_62, %dma_start3A_66] : memref<16x704xf32, #tpu.memory_space<hbm>> -> memref<1x704xf32, #tpu.memory_space<hbm>>
    %dma_start3A_68 = tpu.memref_squeeze %dma_start3A_67 : memref<1x704xf32, #tpu.memory_space<hbm>> -> memref<704xf32, #tpu.memory_space<hbm>>
    tpu.enqueue_dma source(%dma_start3A_68 : memref<704xf32, #tpu.memory_space<hbm>>) target(%arg19 : memref<704xf32, #tpu.memory_space<vmem>>) target_semaphore(%arg47 : memref<!tpu.dma_semaphore, #tpu.memory_space<semaphore_mem>>)
    %dma_start3A_69 = arith.constant 6 : i32
    %dma_start3A_70 = arith.constant 0 : i32
    %dma_start3A_71 = tpu.memref_slice %arg3[%dma_start3A_69, %dma_start3A_70] : memref<16x704xf32, #tpu.memory_space<hbm>> -> memref<1x704xf32, #tpu.memory_space<hbm>>
    %dma_start3A_72 = tpu.memref_squeeze %dma_start3A_71 : memref<1x704xf32, #tpu.memory_space<hbm>> -> memref<704xf32, #tpu.memory_space<hbm>>
    %dma_start3A_73 = arith.constant 0 : i32
    %dma_start3A_74 = tpu.memref_slice %arg3[%dma_start3A_69, %dma_start3A_73] : memref<16x704xf32, #tpu.memory_space<hbm>> -> memref<1x704xf32, #tpu.memory_space<hbm>>
    %dma_start3A_75 = tpu.memref_squeeze %dma_start3A_74 : memref<1x704xf32, #tpu.memory_space<hbm>> -> memref<704xf32, #tpu.memory_space<hbm>>
    tpu.enqueue_dma source(%dma_start3A_75 : memref<704xf32, #tpu.memory_space<hbm>>) target(%arg20 : memref<704xf32, #tpu.memory_space<vmem>>) target_semaphore(%arg47 : memref<!tpu.dma_semaphore, #tpu.memory_space<semaphore_mem>>)
    %dma_start3A_76 = arith.constant 7 : i32
    %dma_start3A_77 = arith.constant 0 : i32
    %dma_start3A_78 = tpu.memref_slice %arg3[%dma_start3A_76, %dma_start3A_77] : memref<16x704xf32, #tpu.memory_space<hbm>> -> memref<1x704xf32, #tpu.memory_space<hbm>>
    %dma_start3A_79 = tpu.memref_squeeze %dma_start3A_78 : memref<1x704xf32, #tpu.memory_space<hbm>> -> memref<704xf32, #tpu.memory_space<hbm>>
    %dma_start3A_80 = arith.constant 0 : i32
    %dma_start3A_81 = tpu.memref_slice %arg3[%dma_start3A_76, %dma_start3A_80] : memref<16x704xf32, #tpu.memory_space<hbm>> -> memref<1x704xf32, #tpu.memory_space<hbm>>
    %dma_start3A_82 = tpu.memref_squeeze %dma_start3A_81 : memref<1x704xf32, #tpu.memory_space<hbm>> -> memref<704xf32, #tpu.memory_space<hbm>>
    tpu.enqueue_dma source(%dma_start3A_82 : memref<704xf32, #tpu.memory_space<hbm>>) target(%arg21 : memref<704xf32, #tpu.memory_space<vmem>>) target_semaphore(%arg47 : memref<!tpu.dma_semaphore, #tpu.memory_space<semaphore_mem>>)
    %dma_start3A_83 = arith.constant 8 : i32
    %dma_start3A_84 = arith.constant 0 : i32
    %dma_start3A_85 = tpu.memref_slice %arg3[%dma_start3A_83, %dma_start3A_84] : memref<16x704xf32, #tpu.memory_space<hbm>> -> memref<1x704xf32, #tpu.memory_space<hbm>>
    %dma_start3A_86 = tpu.memref_squeeze %dma_start3A_85 : memref<1x704xf32, #tpu.memory_space<hbm>> -> memref<704xf32, #tpu.memory_space<hbm>>
    %dma_start3A_87 = arith.constant 0 : i32
    %dma_start3A_88 = tpu.memref_slice %arg3[%dma_start3A_83, %dma_start3A_87] : memref<16x704xf32, #tpu.memory_space<hbm>> -> memref<1x704xf32, #tpu.memory_space<hbm>>
    %dma_start3A_89 = tpu.memref_squeeze %dma_start3A_88 : memref<1x704xf32, #tpu.memory_space<hbm>> -> memref<704xf32, #tpu.memory_space<hbm>>
    tpu.enqueue_dma source(%dma_start3A_89 : memref<704xf32, #tpu.memory_space<hbm>>) target(%arg22 : memref<704xf32, #tpu.memory_space<vmem>>) target_semaphore(%arg47 : memref<!tpu.dma_semaphore, #tpu.memory_space<semaphore_mem>>)
    %dma_start3A_90 = arith.constant 13792 : i32
    %dma_start3A_91 = tpu.memref_slice %arg2[%dma_start3A_90] : memref<65280xf32, #tpu.memory_space<hbm>> -> memref<704xf32, #tpu.memory_space<hbm>>
    %dma_start3A_92 = arith.constant 13792 : i32
    %dma_start3A_93 = tpu.memref_slice %arg2[%dma_start3A_92] : memref<65280xf32, #tpu.memory_space<hbm>> -> memref<704xf32, #tpu.memory_space<hbm>>
    tpu.enqueue_dma source(%dma_start3A_93 : memref<704xf32, #tpu.memory_space<hbm>>) target(%arg23 : memref<704xf32, #tpu.memory_space<vmem>>) target_semaphore(%arg47 : memref<!tpu.dma_semaphore, #tpu.memory_space<semaphore_mem>>)
    %dma_start3A_94 = arith.constant 35552 : i32
    %dma_start3A_95 = tpu.memref_slice %arg2[%dma_start3A_94] : memref<65280xf32, #tpu.memory_space<hbm>> -> memref<704xf32, #tpu.memory_space<hbm>>
    %dma_start3A_96 = arith.constant 35552 : i32
    %dma_start3A_97 = tpu.memref_slice %arg2[%dma_start3A_96] : memref<65280xf32, #tpu.memory_space<hbm>> -> memref<704xf32, #tpu.memory_space<hbm>>
    tpu.enqueue_dma source(%dma_start3A_97 : memref<704xf32, #tpu.memory_space<hbm>>) target(%arg24 : memref<704xf32, #tpu.memory_space<vmem>>) target_semaphore(%arg47 : memref<!tpu.dma_semaphore, #tpu.memory_space<semaphore_mem>>)
    %dma_start3A_98 = arith.constant 57312 : i32
    %dma_start3A_99 = tpu.memref_slice %arg2[%dma_start3A_98] : memref<65280xf32, #tpu.memory_space<hbm>> -> memref<704xf32, #tpu.memory_space<hbm>>
    %dma_start3A_100 = arith.constant 57312 : i32
    %dma_start3A_101 = tpu.memref_slice %arg2[%dma_start3A_100] : memref<65280xf32, #tpu.memory_space<hbm>> -> memref<704xf32, #tpu.memory_space<hbm>>
    tpu.enqueue_dma source(%dma_start3A_101 : memref<704xf32, #tpu.memory_space<hbm>>) target(%arg25 : memref<704xf32, #tpu.memory_space<vmem>>) target_semaphore(%arg47 : memref<!tpu.dma_semaphore, #tpu.memory_space<semaphore_mem>>)
    %dma_start3A_102 = tpu.memref_slice %arg2[%add3A_7] : memref<65280xf32, #tpu.memory_space<hbm>> -> memref<224xf32, #tpu.memory_space<hbm>>
    %dma_start3A_103 = tpu.memref_slice %arg2[%add3A_7] : memref<65280xf32, #tpu.memory_space<hbm>> -> memref<224xf32, #tpu.memory_space<hbm>>
    tpu.enqueue_dma source(%dma_start3A_103 : memref<224xf32, #tpu.memory_space<hbm>>) target(%arg36 : memref<224xf32, #tpu.memory_space<vmem>>) target_semaphore(%arg47 : memref<!tpu.dma_semaphore, #tpu.memory_space<semaphore_mem>>)
    %dma_start3A_104 = tpu.memref_slice %arg2[%add3A_9] : memref<65280xf32, #tpu.memory_space<hbm>> -> memref<224xf32, #tpu.memory_space<hbm>>
    %dma_start3A_105 = tpu.memref_slice %arg2[%add3A_9] : memref<65280xf32, #tpu.memory_space<hbm>> -> memref<224xf32, #tpu.memory_space<hbm>>
    tpu.enqueue_dma source(%dma_start3A_105 : memref<224xf32, #tpu.memory_space<hbm>>) target(%arg37 : memref<224xf32, #tpu.memory_space<vmem>>) target_semaphore(%arg47 : memref<!tpu.dma_semaphore, #tpu.memory_space<semaphore_mem>>)
    %dma_start3A_106 = tpu.memref_slice %arg2[%add3A_11] : memref<65280xf32, #tpu.memory_space<hbm>> -> memref<224xf32, #tpu.memory_space<hbm>>
    %dma_start3A_107 = tpu.memref_slice %arg2[%add3A_11] : memref<65280xf32, #tpu.memory_space<hbm>> -> memref<224xf32, #tpu.memory_space<hbm>>
    tpu.enqueue_dma source(%dma_start3A_107 : memref<224xf32, #tpu.memory_space<hbm>>) target(%arg38 : memref<224xf32, #tpu.memory_space<vmem>>) target_semaphore(%arg47 : memref<!tpu.dma_semaphore, #tpu.memory_space<semaphore_mem>>)
    %dma_start3A_108 = tpu.memref_slice %arg2[%add3A_13] : memref<65280xf32, #tpu.memory_space<hbm>> -> memref<224xf32, #tpu.memory_space<hbm>>
    %dma_start3A_109 = tpu.memref_slice %arg2[%add3A_13] : memref<65280xf32, #tpu.memory_space<hbm>> -> memref<224xf32, #tpu.memory_space<hbm>>
    tpu.enqueue_dma source(%dma_start3A_109 : memref<224xf32, #tpu.memory_space<hbm>>) target(%arg39 : memref<224xf32, #tpu.memory_space<vmem>>) target_semaphore(%arg47 : memref<!tpu.dma_semaphore, #tpu.memory_space<semaphore_mem>>)
    %dma_start3A_110 = tpu.memref_slice %arg2[%add3A_15] : memref<65280xf32, #tpu.memory_space<hbm>> -> memref<224xf32, #tpu.memory_space<hbm>>
    %dma_start3A_111 = tpu.memref_slice %arg2[%add3A_15] : memref<65280xf32, #tpu.memory_space<hbm>> -> memref<224xf32, #tpu.memory_space<hbm>>
    tpu.enqueue_dma source(%dma_start3A_111 : memref<224xf32, #tpu.memory_space<hbm>>) target(%arg40 : memref<224xf32, #tpu.memory_space<vmem>>) target_semaphore(%arg47 : memref<!tpu.dma_semaphore, #tpu.memory_space<semaphore_mem>>)
    %dma_start3A_112 = tpu.memref_slice %arg5[%multiple_of3A_5] : memref<12800xi32, #tpu.memory_space<hbm>> -> memref<400xi32, #tpu.memory_space<hbm>>
    %dma_start3A_113 = tpu.memref_slice %arg5[%multiple_of3A_5] : memref<12800xi32, #tpu.memory_space<hbm>> -> memref<400xi32, #tpu.memory_space<hbm>>
    tpu.enqueue_dma source(%dma_start3A_113 : memref<400xi32, #tpu.memory_space<hbm>>) target(%arg44 : memref<400xi32, #tpu.memory_space<vmem>>) target_semaphore(%arg47 : memref<!tpu.dma_semaphore, #tpu.memory_space<semaphore_mem>>)
    %dma_start3A_114 = tpu.memref_slice %arg6[%multiple_of3A_5] : memref<12800xi32, #tpu.memory_space<hbm>> -> memref<400xi32, #tpu.memory_space<hbm>>
    %dma_start3A_115 = tpu.memref_slice %arg6[%multiple_of3A_5] : memref<12800xi32, #tpu.memory_space<hbm>> -> memref<400xi32, #tpu.memory_space<hbm>>
    tpu.enqueue_dma source(%dma_start3A_115 : memref<400xi32, #tpu.memory_space<hbm>>) target(%arg45 : memref<400xi32, #tpu.memory_space<vmem>>) target_semaphore(%arg47 : memref<!tpu.dma_semaphore, #tpu.memory_space<semaphore_mem>>)
    %dma_wait3A = arith.constant 0 : i32
    %dma_wait3A_116 = tpu.memref_slice %arg2[%dma_wait3A] : memref<65280xf32, #tpu.memory_space<hbm>> -> memref<7168xf32, #tpu.memory_space<hbm>>
    %dma_wait3A_117 = arith.constant 0 : i32
    %dma_wait3A_118 = tpu.memref_slice %arg2[%dma_wait3A_117] : memref<65280xf32, #tpu.memory_space<hbm>> -> memref<7168xf32, #tpu.memory_space<hbm>>
    tpu.wait_dma2 semaphore(%arg47 : memref<!tpu.dma_semaphore, #tpu.memory_space<semaphore_mem>>) src(%dma_wait3A_118 : memref<7168xf32, #tpu.memory_space<hbm>>) dst(%arg11 : memref<7168xf32, #tpu.memory_space<vmem>>)
    %dma_wait3A_119 = arith.constant 21760 : i32
    %dma_wait3A_120 = tpu.memref_slice %arg2[%dma_wait3A_119] : memref<65280xf32, #tpu.memory_space<hbm>> -> memref<7168xf32, #tpu.memory_space<hbm>>
    %dma_wait3A_121 = arith.constant 21760 : i32
    %dma_wait3A_122 = tpu.memref_slice %arg2[%dma_wait3A_121] : memref<65280xf32, #tpu.memory_space<hbm>> -> memref<7168xf32, #tpu.memory_space<hbm>>
    tpu.wait_dma2 semaphore(%arg47 : memref<!tpu.dma_semaphore, #tpu.memory_space<semaphore_mem>>) src(%dma_wait3A_122 : memref<7168xf32, #tpu.memory_space<hbm>>) dst(%arg12 : memref<7168xf32, #tpu.memory_space<vmem>>)
    %dma_wait3A_123 = arith.constant 43520 : i32
    %dma_wait3A_124 = tpu.memref_slice %arg2[%dma_wait3A_123] : memref<65280xf32, #tpu.memory_space<hbm>> -> memref<7168xf32, #tpu.memory_space<hbm>>
    %dma_wait3A_125 = arith.constant 43520 : i32
    %dma_wait3A_126 = tpu.memref_slice %arg2[%dma_wait3A_125] : memref<65280xf32, #tpu.memory_space<hbm>> -> memref<7168xf32, #tpu.memory_space<hbm>>
    tpu.wait_dma2 semaphore(%arg47 : memref<!tpu.dma_semaphore, #tpu.memory_space<semaphore_mem>>) src(%dma_wait3A_126 : memref<7168xf32, #tpu.memory_space<hbm>>) dst(%arg13 : memref<7168xf32, #tpu.memory_space<vmem>>)
    tpu.wait_dma2 semaphore(%arg47 : memref<!tpu.dma_semaphore, #tpu.memory_space<semaphore_mem>>) src(%arg4 : memref<704xi32, #tpu.memory_space<hbm>>) dst(%arg26 : memref<704xi32, #tpu.memory_space<vmem>>)
    %dma_wait3A_127 = arith.constant 0 : i32
    %dma_wait3A_128 = arith.constant 0 : i32
    %dma_wait3A_129 = tpu.memref_slice %arg3[%dma_wait3A_127, %dma_wait3A_128] : memref<16x704xf32, #tpu.memory_space<hbm>> -> memref<1x704xf32, #tpu.memory_space<hbm>>
    %dma_wait3A_130 = tpu.memref_squeeze %dma_wait3A_129 : memref<1x704xf32, #tpu.memory_space<hbm>> -> memref<704xf32, #tpu.memory_space<hbm>>
    %dma_wait3A_131 = arith.constant 0 : i32
    %dma_wait3A_132 = tpu.memref_slice %arg3[%dma_wait3A_127, %dma_wait3A_131] : memref<16x704xf32, #tpu.memory_space<hbm>> -> memref<1x704xf32, #tpu.memory_space<hbm>>
    %dma_wait3A_133 = tpu.memref_squeeze %dma_wait3A_132 : memref<1x704xf32, #tpu.memory_space<hbm>> -> memref<704xf32, #tpu.memory_space<hbm>>
    tpu.wait_dma2 semaphore(%arg47 : memref<!tpu.dma_semaphore, #tpu.memory_space<semaphore_mem>>) src(%dma_wait3A_133 : memref<704xf32, #tpu.memory_space<hbm>>) dst(%arg14 : memref<704xf32, #tpu.memory_space<vmem>>)
    %dma_wait3A_134 = arith.constant 1 : i32
    %dma_wait3A_135 = arith.constant 0 : i32
    %dma_wait3A_136 = tpu.memref_slice %arg3[%dma_wait3A_134, %dma_wait3A_135] : memref<16x704xf32, #tpu.memory_space<hbm>> -> memref<1x704xf32, #tpu.memory_space<hbm>>
    %dma_wait3A_137 = tpu.memref_squeeze %dma_wait3A_136 : memref<1x704xf32, #tpu.memory_space<hbm>> -> memref<704xf32, #tpu.memory_space<hbm>>
    %dma_wait3A_138 = arith.constant 0 : i32
    %dma_wait3A_139 = tpu.memref_slice %arg3[%dma_wait3A_134, %dma_wait3A_138] : memref<16x704xf32, #tpu.memory_space<hbm>> -> memref<1x704xf32, #tpu.memory_space<hbm>>
    %dma_wait3A_140 = tpu.memref_squeeze %dma_wait3A_139 : memref<1x704xf32, #tpu.memory_space<hbm>> -> memref<704xf32, #tpu.memory_space<hbm>>
    tpu.wait_dma2 semaphore(%arg47 : memref<!tpu.dma_semaphore, #tpu.memory_space<semaphore_mem>>) src(%dma_wait3A_140 : memref<704xf32, #tpu.memory_space<hbm>>) dst(%arg15 : memref<704xf32, #tpu.memory_space<vmem>>)
    %dma_wait3A_141 = arith.constant 2 : i32
    %dma_wait3A_142 = arith.constant 0 : i32
    %dma_wait3A_143 = tpu.memref_slice %arg3[%dma_wait3A_141, %dma_wait3A_142] : memref<16x704xf32, #tpu.memory_space<hbm>> -> memref<1x704xf32, #tpu.memory_space<hbm>>
    %dma_wait3A_144 = tpu.memref_squeeze %dma_wait3A_143 : memref<1x704xf32, #tpu.memory_space<hbm>> -> memref<704xf32, #tpu.memory_space<hbm>>
    %dma_wait3A_145 = arith.constant 0 : i32
    %dma_wait3A_146 = tpu.memref_slice %arg3[%dma_wait3A_141, %dma_wait3A_145] : memref<16x704xf32, #tpu.memory_space<hbm>> -> memref<1x704xf32, #tpu.memory_space<hbm>>
    %dma_wait3A_147 = tpu.memref_squeeze %dma_wait3A_146 : memref<1x704xf32, #tpu.memory_space<hbm>> -> memref<704xf32, #tpu.memory_space<hbm>>
    tpu.wait_dma2 semaphore(%arg47 : memref<!tpu.dma_semaphore, #tpu.memory_space<semaphore_mem>>) src(%dma_wait3A_147 : memref<704xf32, #tpu.memory_space<hbm>>) dst(%arg16 : memref<704xf32, #tpu.memory_space<vmem>>)
    %dma_wait3A_148 = arith.constant 3 : i32
    %dma_wait3A_149 = arith.constant 0 : i32
    %dma_wait3A_150 = tpu.memref_slice %arg3[%dma_wait3A_148, %dma_wait3A_149] : memref<16x704xf32, #tpu.memory_space<hbm>> -> memref<1x704xf32, #tpu.memory_space<hbm>>
    %dma_wait3A_151 = tpu.memref_squeeze %dma_wait3A_150 : memref<1x704xf32, #tpu.memory_space<hbm>> -> memref<704xf32, #tpu.memory_space<hbm>>
    %dma_wait3A_152 = arith.constant 0 : i32
    %dma_wait3A_153 = tpu.memref_slice %arg3[%dma_wait3A_148, %dma_wait3A_152] : memref<16x704xf32, #tpu.memory_space<hbm>> -> memref<1x704xf32, #tpu.memory_space<hbm>>
    %dma_wait3A_154 = tpu.memref_squeeze %dma_wait3A_153 : memref<1x704xf32, #tpu.memory_space<hbm>> -> memref<704xf32, #tpu.memory_space<hbm>>
    tpu.wait_dma2 semaphore(%arg47 : memref<!tpu.dma_semaphore, #tpu.memory_space<semaphore_mem>>) src(%dma_wait3A_154 : memref<704xf32, #tpu.memory_space<hbm>>) dst(%arg17 : memref<704xf32, #tpu.memory_space<vmem>>)
    %dma_wait3A_155 = arith.constant 4 : i32
    %dma_wait3A_156 = arith.constant 0 : i32
    %dma_wait3A_157 = tpu.memref_slice %arg3[%dma_wait3A_155, %dma_wait3A_156] : memref<16x704xf32, #tpu.memory_space<hbm>> -> memref<1x704xf32, #tpu.memory_space<hbm>>
    %dma_wait3A_158 = tpu.memref_squeeze %dma_wait3A_157 : memref<1x704xf32, #tpu.memory_space<hbm>> -> memref<704xf32, #tpu.memory_space<hbm>>
    %dma_wait3A_159 = arith.constant 0 : i32
    %dma_wait3A_160 = tpu.memref_slice %arg3[%dma_wait3A_155, %dma_wait3A_159] : memref<16x704xf32, #tpu.memory_space<hbm>> -> memref<1x704xf32, #tpu.memory_space<hbm>>
    %dma_wait3A_161 = tpu.memref_squeeze %dma_wait3A_160 : memref<1x704xf32, #tpu.memory_space<hbm>> -> memref<704xf32, #tpu.memory_space<hbm>>
    tpu.wait_dma2 semaphore(%arg47 : memref<!tpu.dma_semaphore, #tpu.memory_space<semaphore_mem>>) src(%dma_wait3A_161 : memref<704xf32, #tpu.memory_space<hbm>>) dst(%arg18 : memref<704xf32, #tpu.memory_space<vmem>>)
    %dma_wait3A_162 = arith.constant 5 : i32
    %dma_wait3A_163 = arith.constant 0 : i32
    %dma_wait3A_164 = tpu.memref_slice %arg3[%dma_wait3A_162, %dma_wait3A_163] : memref<16x704xf32, #tpu.memory_space<hbm>> -> memref<1x704xf32, #tpu.memory_space<hbm>>
    %dma_wait3A_165 = tpu.memref_squeeze %dma_wait3A_164 : memref<1x704xf32, #tpu.memory_space<hbm>> -> memref<704xf32, #tpu.memory_space<hbm>>
    %dma_wait3A_166 = arith.constant 0 : i32
    %dma_wait3A_167 = tpu.memref_slice %arg3[%dma_wait3A_162, %dma_wait3A_166] : memref<16x704xf32, #tpu.memory_space<hbm>> -> memref<1x704xf32, #tpu.memory_space<hbm>>
    %dma_wait3A_168 = tpu.memref_squeeze %dma_wait3A_167 : memref<1x704xf32, #tpu.memory_space<hbm>> -> memref<704xf32, #tpu.memory_space<hbm>>
    tpu.wait_dma2 semaphore(%arg47 : memref<!tpu.dma_semaphore, #tpu.memory_space<semaphore_mem>>) src(%dma_wait3A_168 : memref<704xf32, #tpu.memory_space<hbm>>) dst(%arg19 : memref<704xf32, #tpu.memory_space<vmem>>)
    %dma_wait3A_169 = arith.constant 6 : i32
    %dma_wait3A_170 = arith.constant 0 : i32
    %dma_wait3A_171 = tpu.memref_slice %arg3[%dma_wait3A_169, %dma_wait3A_170] : memref<16x704xf32, #tpu.memory_space<hbm>> -> memref<1x704xf32, #tpu.memory_space<hbm>>
    %dma_wait3A_172 = tpu.memref_squeeze %dma_wait3A_171 : memref<1x704xf32, #tpu.memory_space<hbm>> -> memref<704xf32, #tpu.memory_space<hbm>>
    %dma_wait3A_173 = arith.constant 0 : i32
    %dma_wait3A_174 = tpu.memref_slice %arg3[%dma_wait3A_169, %dma_wait3A_173] : memref<16x704xf32, #tpu.memory_space<hbm>> -> memref<1x704xf32, #tpu.memory_space<hbm>>
    %dma_wait3A_175 = tpu.memref_squeeze %dma_wait3A_174 : memref<1x704xf32, #tpu.memory_space<hbm>> -> memref<704xf32, #tpu.memory_space<hbm>>
    tpu.wait_dma2 semaphore(%arg47 : memref<!tpu.dma_semaphore, #tpu.memory_space<semaphore_mem>>) src(%dma_wait3A_175 : memref<704xf32, #tpu.memory_space<hbm>>) dst(%arg20 : memref<704xf32, #tpu.memory_space<vmem>>)
    %dma_wait3A_176 = arith.constant 7 : i32
    %dma_wait3A_177 = arith.constant 0 : i32
    %dma_wait3A_178 = tpu.memref_slice %arg3[%dma_wait3A_176, %dma_wait3A_177] : memref<16x704xf32, #tpu.memory_space<hbm>> -> memref<1x704xf32, #tpu.memory_space<hbm>>
    %dma_wait3A_179 = tpu.memref_squeeze %dma_wait3A_178 : memref<1x704xf32, #tpu.memory_space<hbm>> -> memref<704xf32, #tpu.memory_space<hbm>>
    %dma_wait3A_180 = arith.constant 0 : i32
    %dma_wait3A_181 = tpu.memref_slice %arg3[%dma_wait3A_176, %dma_wait3A_180] : memref<16x704xf32, #tpu.memory_space<hbm>> -> memref<1x704xf32, #tpu.memory_space<hbm>>
    %dma_wait3A_182 = tpu.memref_squeeze %dma_wait3A_181 : memref<1x704xf32, #tpu.memory_space<hbm>> -> memref<704xf32, #tpu.memory_space<hbm>>
    tpu.wait_dma2 semaphore(%arg47 : memref<!tpu.dma_semaphore, #tpu.memory_space<semaphore_mem>>) src(%dma_wait3A_182 : memref<704xf32, #tpu.memory_space<hbm>>) dst(%arg21 : memref<704xf32, #tpu.memory_space<vmem>>)
    %dma_wait3A_183 = arith.constant 8 : i32
    %dma_wait3A_184 = arith.constant 0 : i32
    %dma_wait3A_185 = tpu.memref_slice %arg3[%dma_wait3A_183, %dma_wait3A_184] : memref<16x704xf32, #tpu.memory_space<hbm>> -> memref<1x704xf32, #tpu.memory_space<hbm>>
    %dma_wait3A_186 = tpu.memref_squeeze %dma_wait3A_185 : memref<1x704xf32, #tpu.memory_space<hbm>> -> memref<704xf32, #tpu.memory_space<hbm>>
    %dma_wait3A_187 = arith.constant 0 : i32
    %dma_wait3A_188 = tpu.memref_slice %arg3[%dma_wait3A_183, %dma_wait3A_187] : memref<16x704xf32, #tpu.memory_space<hbm>> -> memref<1x704xf32, #tpu.memory_space<hbm>>
    %dma_wait3A_189 = tpu.memref_squeeze %dma_wait3A_188 : memref<1x704xf32, #tpu.memory_space<hbm>> -> memref<704xf32, #tpu.memory_space<hbm>>
    tpu.wait_dma2 semaphore(%arg47 : memref<!tpu.dma_semaphore, #tpu.memory_space<semaphore_mem>>) src(%dma_wait3A_189 : memref<704xf32, #tpu.memory_space<hbm>>) dst(%arg22 : memref<704xf32, #tpu.memory_space<vmem>>)
    %dma_wait3A_190 = arith.constant 13792 : i32
    %dma_wait3A_191 = tpu.memref_slice %arg2[%dma_wait3A_190] : memref<65280xf32, #tpu.memory_space<hbm>> -> memref<704xf32, #tpu.memory_space<hbm>>
    %dma_wait3A_192 = arith.constant 13792 : i32
    %dma_wait3A_193 = tpu.memref_slice %arg2[%dma_wait3A_192] : memref<65280xf32, #tpu.memory_space<hbm>> -> memref<704xf32, #tpu.memory_space<hbm>>
    tpu.wait_dma2 semaphore(%arg47 : memref<!tpu.dma_semaphore, #tpu.memory_space<semaphore_mem>>) src(%dma_wait3A_193 : memref<704xf32, #tpu.memory_space<hbm>>) dst(%arg23 : memref<704xf32, #tpu.memory_space<vmem>>)
    %dma_wait3A_194 = arith.constant 35552 : i32
    %dma_wait3A_195 = tpu.memref_slice %arg2[%dma_wait3A_194] : memref<65280xf32, #tpu.memory_space<hbm>> -> memref<704xf32, #tpu.memory_space<hbm>>
    %dma_wait3A_196 = arith.constant 35552 : i32
    %dma_wait3A_197 = tpu.memref_slice %arg2[%dma_wait3A_196] : memref<65280xf32, #tpu.memory_space<hbm>> -> memref<704xf32, #tpu.memory_space<hbm>>
    tpu.wait_dma2 semaphore(%arg47 : memref<!tpu.dma_semaphore, #tpu.memory_space<semaphore_mem>>) src(%dma_wait3A_197 : memref<704xf32, #tpu.memory_space<hbm>>) dst(%arg24 : memref<704xf32, #tpu.memory_space<vmem>>)
    %dma_wait3A_198 = arith.constant 57312 : i32
    %dma_wait3A_199 = tpu.memref_slice %arg2[%dma_wait3A_198] : memref<65280xf32, #tpu.memory_space<hbm>> -> memref<704xf32, #tpu.memory_space<hbm>>
    %dma_wait3A_200 = arith.constant 57312 : i32
    %dma_wait3A_201 = tpu.memref_slice %arg2[%dma_wait3A_200] : memref<65280xf32, #tpu.memory_space<hbm>> -> memref<704xf32, #tpu.memory_space<hbm>>
    tpu.wait_dma2 semaphore(%arg47 : memref<!tpu.dma_semaphore, #tpu.memory_space<semaphore_mem>>) src(%dma_wait3A_201 : memref<704xf32, #tpu.memory_space<hbm>>) dst(%arg25 : memref<704xf32, #tpu.memory_space<vmem>>)
    %dma_wait3A_202 = tpu.memref_slice %arg2[%add3A_7] : memref<65280xf32, #tpu.memory_space<hbm>> -> memref<224xf32, #tpu.memory_space<hbm>>
    %dma_wait3A_203 = tpu.memref_slice %arg2[%add3A_7] : memref<65280xf32, #tpu.memory_space<hbm>> -> memref<224xf32, #tpu.memory_space<hbm>>
    tpu.wait_dma2 semaphore(%arg47 : memref<!tpu.dma_semaphore, #tpu.memory_space<semaphore_mem>>) src(%dma_wait3A_203 : memref<224xf32, #tpu.memory_space<hbm>>) dst(%arg36 : memref<224xf32, #tpu.memory_space<vmem>>)
    %dma_wait3A_204 = tpu.memref_slice %arg2[%add3A_9] : memref<65280xf32, #tpu.memory_space<hbm>> -> memref<224xf32, #tpu.memory_space<hbm>>
    %dma_wait3A_205 = tpu.memref_slice %arg2[%add3A_9] : memref<65280xf32, #tpu.memory_space<hbm>> -> memref<224xf32, #tpu.memory_space<hbm>>
    tpu.wait_dma2 semaphore(%arg47 : memref<!tpu.dma_semaphore, #tpu.memory_space<semaphore_mem>>) src(%dma_wait3A_205 : memref<224xf32, #tpu.memory_space<hbm>>) dst(%arg37 : memref<224xf32, #tpu.memory_space<vmem>>)
    %dma_wait3A_206 = tpu.memref_slice %arg2[%add3A_11] : memref<65280xf32, #tpu.memory_space<hbm>> -> memref<224xf32, #tpu.memory_space<hbm>>
    %dma_wait3A_207 = tpu.memref_slice %arg2[%add3A_11] : memref<65280xf32, #tpu.memory_space<hbm>> -> memref<224xf32, #tpu.memory_space<hbm>>
    tpu.wait_dma2 semaphore(%arg47 : memref<!tpu.dma_semaphore, #tpu.memory_space<semaphore_mem>>) src(%dma_wait3A_207 : memref<224xf32, #tpu.memory_space<hbm>>) dst(%arg38 : memref<224xf32, #tpu.memory_space<vmem>>)
    %dma_wait3A_208 = tpu.memref_slice %arg2[%add3A_13] : memref<65280xf32, #tpu.memory_space<hbm>> -> memref<224xf32, #tpu.memory_space<hbm>>
    %dma_wait3A_209 = tpu.memref_slice %arg2[%add3A_13] : memref<65280xf32, #tpu.memory_space<hbm>> -> memref<224xf32, #tpu.memory_space<hbm>>
    tpu.wait_dma2 semaphore(%arg47 : memref<!tpu.dma_semaphore, #tpu.memory_space<semaphore_mem>>) src(%dma_wait3A_209 : memref<224xf32, #tpu.memory_space<hbm>>) dst(%arg39 : memref<224xf32, #tpu.memory_space<vmem>>)
    %dma_wait3A_210 = tpu.memref_slice %arg2[%add3A_15] : memref<65280xf32, #tpu.memory_space<hbm>> -> memref<224xf32, #tpu.memory_space<hbm>>
    %dma_wait3A_211 = tpu.memref_slice %arg2[%add3A_15] : memref<65280xf32, #tpu.memory_space<hbm>> -> memref<224xf32, #tpu.memory_space<hbm>>
    tpu.wait_dma2 semaphore(%arg47 : memref<!tpu.dma_semaphore, #tpu.memory_space<semaphore_mem>>) src(%dma_wait3A_211 : memref<224xf32, #tpu.memory_space<hbm>>) dst(%arg40 : memref<224xf32, #tpu.memory_space<vmem>>)
    %dma_wait3A_212 = tpu.memref_slice %arg5[%multiple_of3A_5] : memref<12800xi32, #tpu.memory_space<hbm>> -> memref<400xi32, #tpu.memory_space<hbm>>
    %dma_wait3A_213 = tpu.memref_slice %arg5[%multiple_of3A_5] : memref<12800xi32, #tpu.memory_space<hbm>> -> memref<400xi32, #tpu.memory_space<hbm>>
    tpu.wait_dma2 semaphore(%arg47 : memref<!tpu.dma_semaphore, #tpu.memory_space<semaphore_mem>>) src(%dma_wait3A_213 : memref<400xi32, #tpu.memory_space<hbm>>) dst(%arg44 : memref<400xi32, #tpu.memory_space<vmem>>)
    %dma_wait3A_214 = tpu.memref_slice %arg6[%multiple_of3A_5] : memref<12800xi32, #tpu.memory_space<hbm>> -> memref<400xi32, #tpu.memory_space<hbm>>
    %dma_wait3A_215 = tpu.memref_slice %arg6[%multiple_of3A_5] : memref<12800xi32, #tpu.memory_space<hbm>> -> memref<400xi32, #tpu.memory_space<hbm>>
    tpu.wait_dma2 semaphore(%arg47 : memref<!tpu.dma_semaphore, #tpu.memory_space<semaphore_mem>>) src(%dma_wait3A_215 : memref<400xi32, #tpu.memory_space<hbm>>) dst(%arg45 : memref<400xi32, #tpu.memory_space<vmem>>)
    %scan3A = arith.constant 0 : i32
    %scan3A_216 = arith.constant 0 : i32
    %scan3A_217 = arith.constant 44 : i32
    %scan3A_218 = arith.addi %scan3A_216, %scan3A_217 : i32
    %scan3A_219 = arith.constant 1 : i32
    scf.for %scan3A_259 = %scan3A_216 to %scan3A_218 step %scan3A_219  : i32 {
      %mul3A_260 = arith.constant 16 : i32
      %mul3A_261 = arith.muli %scan3A_259, %mul3A_260 : i32
      %get3A = arith.index_cast %mul3A_261 : i32 to index
      %get3A_262 = tpu.vector_load %arg26[%get3A] {strides = array<i32>} : memref<704xi32, #tpu.memory_space<vmem>>, vector<16xi32>,
      %gather3A = tpu.vector_load_idx %arg11[%get3A_262] : memref<7168xf32, #tpu.memory_space<vmem>>[vector<16xi32>], vector<16xf32>,
      %gather3A_263 = tpu.vector_load_idx %arg12[%get3A_262] : memref<7168xf32, #tpu.memory_space<vmem>>[vector<16xi32>], vector<16xf32>,
      %gather3A_264 = tpu.vector_load_idx %arg13[%get3A_262] : memref<7168xf32, #tpu.memory_space<vmem>>[vector<16xi32>], vector<16xf32>,
      %swap3A_265 = arith.index_cast %mul3A_261 : i32 to index
      %swap3A_266 = tpu.vector_load %arg27[%swap3A_265] {strides = array<i32>} : memref<704xf32, #tpu.memory_space<vmem>>, vector<16xf32>,
      tpu.vector_store %arg27[%swap3A_265], %gather3A {strides = array<i32>} : memref<704xf32, #tpu.memory_space<vmem>>, vector<16xf32>,
      %swap3A_267 = arith.index_cast %mul3A_261 : i32 to index
      %swap3A_268 = tpu.vector_load %arg28[%swap3A_267] {strides = array<i32>} : memref<704xf32, #tpu.memory_space<vmem>>, vector<16xf32>,
      tpu.vector_store %arg28[%swap3A_267], %gather3A_263 {strides = array<i32>} : memref<704xf32, #tpu.memory_space<vmem>>, vector<16xf32>,
      %swap3A_269 = arith.index_cast %mul3A_261 : i32 to index
      %swap3A_270 = tpu.vector_load %arg29[%swap3A_269] {strides = array<i32>} : memref<704xf32, #tpu.memory_space<vmem>>, vector<16xf32>,
      tpu.vector_store %arg29[%swap3A_269], %gather3A_264 {strides = array<i32>} : memref<704xf32, #tpu.memory_space<vmem>>, vector<16xf32>,
      %get3A_271 = arith.index_cast %mul3A_261 : i32 to index
      %get3A_272 = tpu.vector_load %arg23[%get3A_271] {strides = array<i32>} : memref<704xf32, #tpu.memory_space<vmem>>, vector<16xf32>,
      %add3A_273 = arith.addf %gather3A, %get3A_272 : vector<16xf32>
      %get3A_274 = arith.index_cast %mul3A_261 : i32 to index
      %get3A_275 = tpu.vector_load %arg24[%get3A_274] {strides = array<i32>} : memref<704xf32, #tpu.memory_space<vmem>>, vector<16xf32>,
      %add3A_276 = arith.addf %gather3A_263, %get3A_275 : vector<16xf32>
      %get3A_277 = arith.index_cast %mul3A_261 : i32 to index
      %get3A_278 = tpu.vector_load %arg25[%get3A_277] {strides = array<i32>} : memref<704xf32, #tpu.memory_space<vmem>>, vector<16xf32>,
      %add3A_279 = arith.addf %gather3A_264, %get3A_278 : vector<16xf32>
      %swap3A_280 = arith.index_cast %mul3A_261 : i32 to index
      %swap3A_281 = tpu.vector_load %arg30[%swap3A_280] {strides = array<i32>} : memref<704xf32, #tpu.memory_space<vmem>>, vector<16xf32>,
      tpu.vector_store %arg30[%swap3A_280], %add3A_273 {strides = array<i32>} : memref<704xf32, #tpu.memory_space<vmem>>, vector<16xf32>,
      %swap3A_282 = arith.index_cast %mul3A_261 : i32 to index
      %swap3A_283 = tpu.vector_load %arg31[%swap3A_282] {strides = array<i32>} : memref<704xf32, #tpu.memory_space<vmem>>, vector<16xf32>,
      tpu.vector_store %arg31[%swap3A_282], %add3A_276 {strides = array<i32>} : memref<704xf32, #tpu.memory_space<vmem>>, vector<16xf32>,
      %swap3A_284 = arith.index_cast %mul3A_261 : i32 to index
      %swap3A_285 = tpu.vector_load %arg32[%swap3A_284] {strides = array<i32>} : memref<704xf32, #tpu.memory_space<vmem>>, vector<16xf32>,
      tpu.vector_store %arg32[%swap3A_284], %add3A_279 {strides = array<i32>} : memref<704xf32, #tpu.memory_space<vmem>>, vector<16xf32>,
      %get3A_286 = arith.index_cast %mul3A_261 : i32 to index
      %get3A_287 = tpu.vector_load %arg14[%get3A_286] {strides = array<i32>} : memref<704xf32, #tpu.memory_space<vmem>>, vector<16xf32>,
      %mul3A_288 = arith.mulf %get3A_287, %gather3A : vector<16xf32>
      %get3A_289 = arith.index_cast %mul3A_261 : i32 to index
      %get3A_290 = tpu.vector_load %arg15[%get3A_289] {strides = array<i32>} : memref<704xf32, #tpu.memory_space<vmem>>, vector<16xf32>,
      %mul3A_291 = arith.mulf %get3A_290, %gather3A_263 : vector<16xf32>
      %add3A_292 = arith.addf %mul3A_288, %mul3A_291 : vector<16xf32>
      %get3A_293 = arith.index_cast %mul3A_261 : i32 to index
      %get3A_294 = tpu.vector_load %arg16[%get3A_293] {strides = array<i32>} : memref<704xf32, #tpu.memory_space<vmem>>, vector<16xf32>,
      %mul3A_295 = arith.mulf %get3A_294, %gather3A_264 : vector<16xf32>
      %add3A_296 = arith.addf %add3A_292, %mul3A_295 : vector<16xf32>
      %sub3A = arith.subf %add3A_273, %add3A_296 : vector<16xf32>
      %swap3A_297 = arith.index_cast %mul3A_261 : i32 to index
      %swap3A_298 = tpu.vector_load %arg33[%swap3A_297] {strides = array<i32>} : memref<704xf32, #tpu.memory_space<vmem>>, vector<16xf32>,
      tpu.vector_store %arg33[%swap3A_297], %sub3A {strides = array<i32>} : memref<704xf32, #tpu.memory_space<vmem>>, vector<16xf32>,
      %get3A_299 = arith.index_cast %mul3A_261 : i32 to index
      %get3A_300 = tpu.vector_load %arg17[%get3A_299] {strides = array<i32>} : memref<704xf32, #tpu.memory_space<vmem>>, vector<16xf32>,
      %mul3A_301 = arith.mulf %get3A_300, %gather3A : vector<16xf32>
      %get3A_302 = arith.index_cast %mul3A_261 : i32 to index
      %get3A_303 = tpu.vector_load %arg18[%get3A_302] {strides = array<i32>} : memref<704xf32, #tpu.memory_space<vmem>>, vector<16xf32>,
      %mul3A_304 = arith.mulf %get3A_303, %gather3A_263 : vector<16xf32>
      %add3A_305 = arith.addf %mul3A_301, %mul3A_304 : vector<16xf32>
      %get3A_306 = arith.index_cast %mul3A_261 : i32 to index
      %get3A_307 = tpu.vector_load %arg19[%get3A_306] {strides = array<i32>} : memref<704xf32, #tpu.memory_space<vmem>>, vector<16xf32>,
      %mul3A_308 = arith.mulf %get3A_307, %gather3A_264 : vector<16xf32>
      %add3A_309 = arith.addf %add3A_305, %mul3A_308 : vector<16xf32>
      %sub3A_310 = arith.subf %add3A_276, %add3A_309 : vector<16xf32>
      %swap3A_311 = arith.index_cast %mul3A_261 : i32 to index
      %swap3A_312 = tpu.vector_load %arg34[%swap3A_311] {strides = array<i32>} : memref<704xf32, #tpu.memory_space<vmem>>, vector<16xf32>,
      tpu.vector_store %arg34[%swap3A_311], %sub3A_310 {strides = array<i32>} : memref<704xf32, #tpu.memory_space<vmem>>, vector<16xf32>,
      %get3A_313 = arith.index_cast %mul3A_261 : i32 to index
      %get3A_314 = tpu.vector_load %arg20[%get3A_313] {strides = array<i32>} : memref<704xf32, #tpu.memory_space<vmem>>, vector<16xf32>,
      %mul3A_315 = arith.mulf %get3A_314, %gather3A : vector<16xf32>
      %get3A_316 = arith.index_cast %mul3A_261 : i32 to index
      %get3A_317 = tpu.vector_load %arg21[%get3A_316] {strides = array<i32>} : memref<704xf32, #tpu.memory_space<vmem>>, vector<16xf32>,
      %mul3A_318 = arith.mulf %get3A_317, %gather3A_263 : vector<16xf32>
      %add3A_319 = arith.addf %mul3A_315, %mul3A_318 : vector<16xf32>
      %get3A_320 = arith.index_cast %mul3A_261 : i32 to index
      %get3A_321 = tpu.vector_load %arg22[%get3A_320] {strides = array<i32>} : memref<704xf32, #tpu.memory_space<vmem>>, vector<16xf32>,
      %mul3A_322 = arith.mulf %get3A_321, %gather3A_264 : vector<16xf32>
      %add3A_323 = arith.addf %add3A_319, %mul3A_322 : vector<16xf32>
      %sub3A_324 = arith.subf %add3A_279, %add3A_323 : vector<16xf32>
      %swap3A_325 = arith.index_cast %mul3A_261 : i32 to index
      %swap3A_326 = tpu.vector_load %arg35[%swap3A_325] {strides = array<i32>} : memref<704xf32, #tpu.memory_space<vmem>>, vector<16xf32>,
      tpu.vector_store %arg35[%swap3A_325], %sub3A_324 {strides = array<i32>} : memref<704xf32, #tpu.memory_space<vmem>>, vector<16xf32>,
    }
    %scan3A_220 = arith.constant 44 : i32
    %scan3A_221 = arith.constant 0 : i32
    %scan3A_222 = arith.constant 0 : i32
    %scan3A_223 = arith.constant 14 : i32
    %scan3A_224 = arith.addi %scan3A_222, %scan3A_223 : i32
    %scan3A_225 = arith.constant 1 : i32
    scf.for %scan3A_259 = %scan3A_222 to %scan3A_224 step %scan3A_225  : i32 {
      %mul3A_260 = arith.constant 16 : i32
      %mul3A_261 = arith.muli %scan3A_259, %mul3A_260 : i32
      %get3A = arith.index_cast %mul3A_261 : i32 to index
      %get3A_262 = tpu.vector_load %arg39[%get3A] {strides = array<i32>} : memref<224xf32, #tpu.memory_space<vmem>>, vector<16xf32>,
      %get3A_263 = arith.index_cast %mul3A_261 : i32 to index
      %get3A_264 = tpu.vector_load %arg40[%get3A_263] {strides = array<i32>} : memref<224xf32, #tpu.memory_space<vmem>>, vector<16xf32>,
      %sub3A = arith.constant 1.000000e+00 : f32
      %sub3A_265 = vector.broadcast %sub3A : f32 to vector<16xf32>
      %sub3A_266 = arith.subf %sub3A_265, %get3A_262 : vector<16xf32>
      %sub3A_267 = arith.subf %sub3A_266, %get3A_264 : vector<16xf32>
      %broadcast_in_dim3A_268 = arith.constant 0.000000e+00 : f32
      %broadcast_in_dim3A_269 = vector.broadcast %broadcast_in_dim3A_268 : f32 to vector<16xf32>
      %get3A_270 = arith.index_cast %mul3A_261 : i32 to index
      %get3A_271 = tpu.vector_load %arg36[%get3A_270] {strides = array<i32>} : memref<224xf32, #tpu.memory_space<vmem>>, vector<16xf32>,
      %bitcast3A = vector.bitcast %get3A_271 : vector<16xf32> to vector<16xi32>
      %gather3A = tpu.vector_load_idx %arg14[%bitcast3A] : memref<704xf32, #tpu.memory_space<vmem>>[vector<16xi32>], vector<16xf32>,
      %mul3A_272 = arith.mulf %get3A_262, %gather3A : vector<16xf32>
      %add3A_273 = arith.addf %broadcast_in_dim3A_269, %mul3A_272 : vector<16xf32>
      %gather3A_274 = tpu.vector_load_idx %arg15[%bitcast3A] : memref<704xf32, #tpu.memory_space<vmem>>[vector<16xi32>], vector<16xf32>,
      %mul3A_275 = arith.mulf %get3A_262, %gather3A_274 : vector<16xf32>
      %add3A_276 = arith.addf %broadcast_in_dim3A_269, %mul3A_275 : vector<16xf32>
      %gather3A_277 = tpu.vector_load_idx %arg16[%bitcast3A] : memref<704xf32, #tpu.memory_space<vmem>>[vector<16xi32>], vector<16xf32>,
      %mul3A_278 = arith.mulf %get3A_262, %gather3A_277 : vector<16xf32>
      %add3A_279 = arith.addf %broadcast_in_dim3A_269, %mul3A_278 : vector<16xf32>
      %gather3A_280 = tpu.vector_load_idx %arg17[%bitcast3A] : memref<704xf32, #tpu.memory_space<vmem>>[vector<16xi32>], vector<16xf32>,
      %mul3A_281 = arith.mulf %get3A_262, %gather3A_280 : vector<16xf32>
      %add3A_282 = arith.addf %broadcast_in_dim3A_269, %mul3A_281 : vector<16xf32>
      %gather3A_283 = tpu.vector_load_idx %arg18[%bitcast3A] : memref<704xf32, #tpu.memory_space<vmem>>[vector<16xi32>], vector<16xf32>,
      %mul3A_284 = arith.mulf %get3A_262, %gather3A_283 : vector<16xf32>
      %add3A_285 = arith.addf %broadcast_in_dim3A_269, %mul3A_284 : vector<16xf32>
      %gather3A_286 = tpu.vector_load_idx %arg19[%bitcast3A] : memref<704xf32, #tpu.memory_space<vmem>>[vector<16xi32>], vector<16xf32>,
      %mul3A_287 = arith.mulf %get3A_262, %gather3A_286 : vector<16xf32>
      %add3A_288 = arith.addf %broadcast_in_dim3A_269, %mul3A_287 : vector<16xf32>
      %gather3A_289 = tpu.vector_load_idx %arg20[%bitcast3A] : memref<704xf32, #tpu.memory_space<vmem>>[vector<16xi32>], vector<16xf32>,
      %mul3A_290 = arith.mulf %get3A_262, %gather3A_289 : vector<16xf32>
      %add3A_291 = arith.addf %broadcast_in_dim3A_269, %mul3A_290 : vector<16xf32>
      %gather3A_292 = tpu.vector_load_idx %arg21[%bitcast3A] : memref<704xf32, #tpu.memory_space<vmem>>[vector<16xi32>], vector<16xf32>,
      %mul3A_293 = arith.mulf %get3A_262, %gather3A_292 : vector<16xf32>
      %add3A_294 = arith.addf %broadcast_in_dim3A_269, %mul3A_293 : vector<16xf32>
      %gather3A_295 = tpu.vector_load_idx %arg22[%bitcast3A] : memref<704xf32, #tpu.memory_space<vmem>>[vector<16xi32>], vector<16xf32>,
      %mul3A_296 = arith.mulf %get3A_262, %gather3A_295 : vector<16xf32>
      %add3A_297 = arith.addf %broadcast_in_dim3A_269, %mul3A_296 : vector<16xf32>
      %gather3A_298 = tpu.vector_load_idx %arg33[%bitcast3A] : memref<704xf32, #tpu.memory_space<vmem>>[vector<16xi32>], vector<16xf32>,
      %mul3A_299 = arith.mulf %get3A_262, %gather3A_298 : vector<16xf32>
      %add3A_300 = arith.addf %broadcast_in_dim3A_269, %mul3A_299 : vector<16xf32>
      %gather3A_301 = tpu.vector_load_idx %arg34[%bitcast3A] : memref<704xf32, #tpu.memory_space<vmem>>[vector<16xi32>], vector<16xf32>,
      %mul3A_302 = arith.mulf %get3A_262, %gather3A_301 : vector<16xf32>
      %add3A_303 = arith.addf %broadcast_in_dim3A_269, %mul3A_302 : vector<16xf32>
      %gather3A_304 = tpu.vector_load_idx %arg35[%bitcast3A] : memref<704xf32, #tpu.memory_space<vmem>>[vector<16xi32>], vector<16xf32>,
      %mul3A_305 = arith.mulf %get3A_262, %gather3A_304 : vector<16xf32>
      %add3A_306 = arith.addf %broadcast_in_dim3A_269, %mul3A_305 : vector<16xf32>
      %get3A_307 = arith.index_cast %mul3A_261 : i32 to index
      %get3A_308 = tpu.vector_load %arg37[%get3A_307] {strides = array<i32>} : memref<224xf32, #tpu.memory_space<vmem>>, vector<16xf32>,
      %bitcast3A_309 = vector.bitcast %get3A_308 : vector<16xf32> to vector<16xi32>
      %gather3A_310 = tpu.vector_load_idx %arg14[%bitcast3A_309] : memref<704xf32, #tpu.memory_space<vmem>>[vector<16xi32>], vector<16xf32>,
      %mul3A_311 = arith.mulf %get3A_264, %gather3A_310 : vector<16xf32>
      %add3A_312 = arith.addf %add3A_273, %mul3A_311 : vector<16xf32>
      %gather3A_313 = tpu.vector_load_idx %arg15[%bitcast3A_309] : memref<704xf32, #tpu.memory_space<vmem>>[vector<16xi32>], vector<16xf32>,
      %mul3A_314 = arith.mulf %get3A_264, %gather3A_313 : vector<16xf32>
      %add3A_315 = arith.addf %add3A_276, %mul3A_314 : vector<16xf32>
      %gather3A_316 = tpu.vector_load_idx %arg16[%bitcast3A_309] : memref<704xf32, #tpu.memory_space<vmem>>[vector<16xi32>], vector<16xf32>,
      %mul3A_317 = arith.mulf %get3A_264, %gather3A_316 : vector<16xf32>
      %add3A_318 = arith.addf %add3A_279, %mul3A_317 : vector<16xf32>
      %gather3A_319 = tpu.vector_load_idx %arg17[%bitcast3A_309] : memref<704xf32, #tpu.memory_space<vmem>>[vector<16xi32>], vector<16xf32>,
      %mul3A_320 = arith.mulf %get3A_264, %gather3A_319 : vector<16xf32>
      %add3A_321 = arith.addf %add3A_282, %mul3A_320 : vector<16xf32>
      %gather3A_322 = tpu.vector_load_idx %arg18[%bitcast3A_309] : memref<704xf32, #tpu.memory_space<vmem>>[vector<16xi32>], vector<16xf32>,
      %mul3A_323 = arith.mulf %get3A_264, %gather3A_322 : vector<16xf32>
      %add3A_324 = arith.addf %add3A_285, %mul3A_323 : vector<16xf32>
      %gather3A_325 = tpu.vector_load_idx %arg19[%bitcast3A_309] : memref<704xf32, #tpu.memory_space<vmem>>[vector<16xi32>], vector<16xf32>,
      %mul3A_326 = arith.mulf %get3A_264, %gather3A_325 : vector<16xf32>
      %add3A_327 = arith.addf %add3A_288, %mul3A_326 : vector<16xf32>
      %gather3A_328 = tpu.vector_load_idx %arg20[%bitcast3A_309] : memref<704xf32, #tpu.memory_space<vmem>>[vector<16xi32>], vector<16xf32>,
      %mul3A_329 = arith.mulf %get3A_264, %gather3A_328 : vector<16xf32>
      %add3A_330 = arith.addf %add3A_291, %mul3A_329 : vector<16xf32>
      %gather3A_331 = tpu.vector_load_idx %arg21[%bitcast3A_309] : memref<704xf32, #tpu.memory_space<vmem>>[vector<16xi32>], vector<16xf32>,
      %mul3A_332 = arith.mulf %get3A_264, %gather3A_331 : vector<16xf32>
      %add3A_333 = arith.addf %add3A_294, %mul3A_332 : vector<16xf32>
      %gather3A_334 = tpu.vector_load_idx %arg22[%bitcast3A_309] : memref<704xf32, #tpu.memory_space<vmem>>[vector<16xi32>], vector<16xf32>,
      %mul3A_335 = arith.mulf %get3A_264, %gather3A_334 : vector<16xf32>
      %add3A_336 = arith.addf %add3A_297, %mul3A_335 : vector<16xf32>
      %gather3A_337 = tpu.vector_load_idx %arg33[%bitcast3A_309] : memref<704xf32, #tpu.memory_space<vmem>>[vector<16xi32>], vector<16xf32>,
      %mul3A_338 = arith.mulf %get3A_264, %gather3A_337 : vector<16xf32>
      %add3A_339 = arith.addf %add3A_300, %mul3A_338 : vector<16xf32>
      %gather3A_340 = tpu.vector_load_idx %arg34[%bitcast3A_309] : memref<704xf32, #tpu.memory_space<vmem>>[vector<16xi32>], vector<16xf32>,
      %mul3A_341 = arith.mulf %get3A_264, %gather3A_340 : vector<16xf32>
      %add3A_342 = arith.addf %add3A_303, %mul3A_341 : vector<16xf32>
      %gather3A_343 = tpu.vector_load_idx %arg35[%bitcast3A_309] : memref<704xf32, #tpu.memory_space<vmem>>[vector<16xi32>], vector<16xf32>,
      %mul3A_344 = arith.mulf %get3A_264, %gather3A_343 : vector<16xf32>
      %add3A_345 = arith.addf %add3A_306, %mul3A_344 : vector<16xf32>
      %get3A_346 = arith.index_cast %mul3A_261 : i32 to index
      %get3A_347 = tpu.vector_load %arg38[%get3A_346] {strides = array<i32>} : memref<224xf32, #tpu.memory_space<vmem>>, vector<16xf32>,
      %bitcast3A_348 = vector.bitcast %get3A_347 : vector<16xf32> to vector<16xi32>
      %gather3A_349 = tpu.vector_load_idx %arg14[%bitcast3A_348] : memref<704xf32, #tpu.memory_space<vmem>>[vector<16xi32>], vector<16xf32>,
      %mul3A_350 = arith.mulf %sub3A_267, %gather3A_349 : vector<16xf32>
      %add3A_351 = arith.addf %add3A_312, %mul3A_350 : vector<16xf32>
      %gather3A_352 = tpu.vector_load_idx %arg15[%bitcast3A_348] : memref<704xf32, #tpu.memory_space<vmem>>[vector<16xi32>], vector<16xf32>,
      %mul3A_353 = arith.mulf %sub3A_267, %gather3A_352 : vector<16xf32>
      %add3A_354 = arith.addf %add3A_315, %mul3A_353 : vector<16xf32>
      %gather3A_355 = tpu.vector_load_idx %arg16[%bitcast3A_348] : memref<704xf32, #tpu.memory_space<vmem>>[vector<16xi32>], vector<16xf32>,
      %mul3A_356 = arith.mulf %sub3A_267, %gather3A_355 : vector<16xf32>
      %add3A_357 = arith.addf %add3A_318, %mul3A_356 : vector<16xf32>
      %gather3A_358 = tpu.vector_load_idx %arg17[%bitcast3A_348] : memref<704xf32, #tpu.memory_space<vmem>>[vector<16xi32>], vector<16xf32>,
      %mul3A_359 = arith.mulf %sub3A_267, %gather3A_358 : vector<16xf32>
      %add3A_360 = arith.addf %add3A_321, %mul3A_359 : vector<16xf32>
      %gather3A_361 = tpu.vector_load_idx %arg18[%bitcast3A_348] : memref<704xf32, #tpu.memory_space<vmem>>[vector<16xi32>], vector<16xf32>,
      %mul3A_362 = arith.mulf %sub3A_267, %gather3A_361 : vector<16xf32>
      %add3A_363 = arith.addf %add3A_324, %mul3A_362 : vector<16xf32>
      %gather3A_364 = tpu.vector_load_idx %arg19[%bitcast3A_348] : memref<704xf32, #tpu.memory_space<vmem>>[vector<16xi32>], vector<16xf32>,
      %mul3A_365 = arith.mulf %sub3A_267, %gather3A_364 : vector<16xf32>
      %add3A_366 = arith.addf %add3A_327, %mul3A_365 : vector<16xf32>
      %gather3A_367 = tpu.vector_load_idx %arg20[%bitcast3A_348] : memref<704xf32, #tpu.memory_space<vmem>>[vector<16xi32>], vector<16xf32>,
      %mul3A_368 = arith.mulf %sub3A_267, %gather3A_367 : vector<16xf32>
      %add3A_369 = arith.addf %add3A_330, %mul3A_368 : vector<16xf32>
      %gather3A_370 = tpu.vector_load_idx %arg21[%bitcast3A_348] : memref<704xf32, #tpu.memory_space<vmem>>[vector<16xi32>], vector<16xf32>,
      %mul3A_371 = arith.mulf %sub3A_267, %gather3A_370 : vector<16xf32>
      %add3A_372 = arith.addf %add3A_333, %mul3A_371 : vector<16xf32>
      %gather3A_373 = tpu.vector_load_idx %arg22[%bitcast3A_348] : memref<704xf32, #tpu.memory_space<vmem>>[vector<16xi32>], vector<16xf32>,
      %mul3A_374 = arith.mulf %sub3A_267, %gather3A_373 : vector<16xf32>
      %add3A_375 = arith.addf %add3A_336, %mul3A_374 : vector<16xf32>
      %gather3A_376 = tpu.vector_load_idx %arg33[%bitcast3A_348] : memref<704xf32, #tpu.memory_space<vmem>>[vector<16xi32>], vector<16xf32>,
      %mul3A_377 = arith.mulf %sub3A_267, %gather3A_376 : vector<16xf32>
      %add3A_378 = arith.addf %add3A_339, %mul3A_377 : vector<16xf32>
      %gather3A_379 = tpu.vector_load_idx %arg34[%bitcast3A_348] : memref<704xf32, #tpu.memory_space<vmem>>[vector<16xi32>], vector<16xf32>,
      %mul3A_380 = arith.mulf %sub3A_267, %gather3A_379 : vector<16xf32>
      %add3A_381 = arith.addf %add3A_342, %mul3A_380 : vector<16xf32>
      %gather3A_382 = tpu.vector_load_idx %arg35[%bitcast3A_348] : memref<704xf32, #tpu.memory_space<vmem>>[vector<16xi32>], vector<16xf32>,
      %mul3A_383 = arith.mulf %sub3A_267, %gather3A_382 : vector<16xf32>
      %add3A_384 = arith.addf %add3A_345, %mul3A_383 : vector<16xf32>
      %mul3A_385 = arith.constant 16 : i32
      %mul3A_386 = arith.muli %scan3A_259, %mul3A_385 : i32
      %add3A_387 = arith.addi %multiple_of3A, %mul3A_386 : i32
      %get3A_388 = arith.index_cast %add3A_387 : i32 to index
      %get3A_389 = tpu.vector_load %arg11[%get3A_388] {strides = array<i32>} : memref<7168xf32, #tpu.memory_space<vmem>>, vector<16xf32>,
      %get3A_390 = arith.index_cast %add3A_387 : i32 to index
      %get3A_391 = tpu.vector_load %arg12[%get3A_390] {strides = array<i32>} : memref<7168xf32, #tpu.memory_space<vmem>>, vector<16xf32>,
      %get3A_392 = arith.index_cast %add3A_387 : i32 to index
      %get3A_393 = tpu.vector_load %arg13[%get3A_392] {strides = array<i32>} : memref<7168xf32, #tpu.memory_space<vmem>>, vector<16xf32>,
      %mul3A_394 = arith.mulf %add3A_351, %get3A_389 : vector<16xf32>
      %mul3A_395 = arith.mulf %add3A_354, %get3A_391 : vector<16xf32>
      %add3A_396 = arith.addf %mul3A_394, %mul3A_395 : vector<16xf32>
      %mul3A_397 = arith.mulf %add3A_357, %get3A_393 : vector<16xf32>
      %add3A_398 = arith.addf %add3A_396, %mul3A_397 : vector<16xf32>
      %add3A_399 = arith.addf %add3A_398, %add3A_378 : vector<16xf32>
      %swap3A_400 = arith.index_cast %mul3A_261 : i32 to index
      %swap3A_401 = tpu.vector_load %arg41[%swap3A_400] {strides = array<i32>} : memref<224xf32, #tpu.memory_space<vmem>>, vector<16xf32>,
      tpu.vector_store %arg41[%swap3A_400], %add3A_399 {strides = array<i32>} : memref<224xf32, #tpu.memory_space<vmem>>, vector<16xf32>,
      %mul3A_402 = arith.mulf %add3A_360, %get3A_389 : vector<16xf32>
      %mul3A_403 = arith.mulf %add3A_363, %get3A_391 : vector<16xf32>
      %add3A_404 = arith.addf %mul3A_402, %mul3A_403 : vector<16xf32>
      %mul3A_405 = arith.mulf %add3A_366, %get3A_393 : vector<16xf32>
      %add3A_406 = arith.addf %add3A_404, %mul3A_405 : vector<16xf32>
      %add3A_407 = arith.addf %add3A_406, %add3A_381 : vector<16xf32>
      %swap3A_408 = arith.index_cast %mul3A_261 : i32 to index
      %swap3A_409 = tpu.vector_load %arg42[%swap3A_408] {strides = array<i32>} : memref<224xf32, #tpu.memory_space<vmem>>, vector<16xf32>,
      tpu.vector_store %arg42[%swap3A_408], %add3A_407 {strides = array<i32>} : memref<224xf32, #tpu.memory_space<vmem>>, vector<16xf32>,
      %mul3A_410 = arith.mulf %add3A_369, %get3A_389 : vector<16xf32>
      %mul3A_411 = arith.mulf %add3A_372, %get3A_391 : vector<16xf32>
      %add3A_412 = arith.addf %mul3A_410, %mul3A_411 : vector<16xf32>
      %mul3A_413 = arith.mulf %add3A_375, %get3A_393 : vector<16xf32>
      %add3A_414 = arith.addf %add3A_412, %mul3A_413 : vector<16xf32>
      %add3A_415 = arith.addf %add3A_414, %add3A_384 : vector<16xf32>
      %swap3A_416 = arith.index_cast %mul3A_261 : i32 to index
      %swap3A_417 = tpu.vector_load %arg43[%swap3A_416] {strides = array<i32>} : memref<224xf32, #tpu.memory_space<vmem>>, vector<16xf32>,
      tpu.vector_store %arg43[%swap3A_416], %add3A_415 {strides = array<i32>} : memref<224xf32, #tpu.memory_space<vmem>>, vector<16xf32>,
    }
    %scan3A_226 = arith.constant 14 : i32
    %dma_start3A_227 = tpu.memref_slice %arg7[%multiple_of3A] : memref<7168xf32, #tpu.memory_space<hbm>> -> memref<224xf32, #tpu.memory_space<hbm>>
    %dma_start3A_228 = tpu.memref_slice %arg7[%multiple_of3A] : memref<7168xf32, #tpu.memory_space<hbm>> -> memref<224xf32, #tpu.memory_space<hbm>>
    tpu.enqueue_dma source(%arg41 : memref<224xf32, #tpu.memory_space<vmem>>) target(%dma_start3A_228 : memref<224xf32, #tpu.memory_space<hbm>>) target_semaphore(%arg47 : memref<!tpu.dma_semaphore, #tpu.memory_space<semaphore_mem>>)
    %dma_start3A_229 = tpu.memref_slice %arg8[%multiple_of3A] : memref<7168xf32, #tpu.memory_space<hbm>> -> memref<224xf32, #tpu.memory_space<hbm>>
    %dma_start3A_230 = tpu.memref_slice %arg8[%multiple_of3A] : memref<7168xf32, #tpu.memory_space<hbm>> -> memref<224xf32, #tpu.memory_space<hbm>>
    tpu.enqueue_dma source(%arg42 : memref<224xf32, #tpu.memory_space<vmem>>) target(%dma_start3A_230 : memref<224xf32, #tpu.memory_space<hbm>>) target_semaphore(%arg47 : memref<!tpu.dma_semaphore, #tpu.memory_space<semaphore_mem>>)
    %dma_start3A_231 = tpu.memref_slice %arg9[%multiple_of3A] : memref<7168xf32, #tpu.memory_space<hbm>> -> memref<224xf32, #tpu.memory_space<hbm>>
    %dma_start3A_232 = tpu.memref_slice %arg9[%multiple_of3A] : memref<7168xf32, #tpu.memory_space<hbm>> -> memref<224xf32, #tpu.memory_space<hbm>>
    tpu.enqueue_dma source(%arg43 : memref<224xf32, #tpu.memory_space<vmem>>) target(%dma_start3A_232 : memref<224xf32, #tpu.memory_space<hbm>>) target_semaphore(%arg47 : memref<!tpu.dma_semaphore, #tpu.memory_space<semaphore_mem>>)
    %broadcast_in_dim3A = arith.constant 0.000000e+00 : f32
    %broadcast_in_dim3A_233 = vector.broadcast %broadcast_in_dim3A : f32 to vector<16xf32>
    %scan3A_234 = arith.constant 0 : i32
    %scan3A_235 = arith.constant 25 : i32
    %scan3A_236 = arith.addi %scan3A_234, %scan3A_235 : i32
    %scan3A_237 = arith.constant 1 : i32
    %scan3A_238 = scf.for %scan3A_259 = %scan3A_234 to %scan3A_236 step %scan3A_237 iter_args(%scan3A_260 = %broadcast_in_dim3A_233) -> (vector<16xf32>)  : i32 {
      %mul3A_261 = arith.constant 16 : i32
      %mul3A_262 = arith.muli %scan3A_259, %mul3A_261 : i32
      %get3A = arith.index_cast %mul3A_262 : i32 to index
      %get3A_263 = tpu.vector_load %arg44[%get3A] {strides = array<i32>} : memref<400xi32, #tpu.memory_space<vmem>>, vector<16xi32>,
      %get3A_264 = arith.index_cast %mul3A_262 : i32 to index
      %get3A_265 = tpu.vector_load %arg45[%get3A_264] {strides = array<i32>} : memref<400xi32, #tpu.memory_space<vmem>>, vector<16xi32>,
      %gather3A = tpu.vector_load_idx %arg33[%get3A_263] : memref<704xf32, #tpu.memory_space<vmem>>[vector<16xi32>], vector<16xf32>,
      %gather3A_266 = tpu.vector_load_idx %arg34[%get3A_263] : memref<704xf32, #tpu.memory_space<vmem>>[vector<16xi32>], vector<16xf32>,
      %gather3A_267 = tpu.vector_load_idx %arg35[%get3A_263] : memref<704xf32, #tpu.memory_space<vmem>>[vector<16xi32>], vector<16xf32>,
      %gather3A_268 = tpu.vector_load_idx %arg30[%get3A_265] : memref<704xf32, #tpu.memory_space<vmem>>[vector<16xi32>], vector<16xf32>,
      %gather3A_269 = tpu.vector_load_idx %arg31[%get3A_265] : memref<704xf32, #tpu.memory_space<vmem>>[vector<16xi32>], vector<16xf32>,
      %gather3A_270 = tpu.vector_load_idx %arg32[%get3A_265] : memref<704xf32, #tpu.memory_space<vmem>>[vector<16xi32>], vector<16xf32>,
      %gather3A_271 = tpu.vector_load_idx %arg27[%get3A_265] : memref<704xf32, #tpu.memory_space<vmem>>[vector<16xi32>], vector<16xf32>,
      %gather3A_272 = tpu.vector_load_idx %arg28[%get3A_265] : memref<704xf32, #tpu.memory_space<vmem>>[vector<16xi32>], vector<16xf32>,
      %gather3A_273 = tpu.vector_load_idx %arg29[%get3A_265] : memref<704xf32, #tpu.memory_space<vmem>>[vector<16xi32>], vector<16xf32>,
      %gather3A_274 = tpu.vector_load_idx %arg14[%get3A_263] : memref<704xf32, #tpu.memory_space<vmem>>[vector<16xi32>], vector<16xf32>,
      %gather3A_275 = tpu.vector_load_idx %arg15[%get3A_263] : memref<704xf32, #tpu.memory_space<vmem>>[vector<16xi32>], vector<16xf32>,
      %gather3A_276 = tpu.vector_load_idx %arg16[%get3A_263] : memref<704xf32, #tpu.memory_space<vmem>>[vector<16xi32>], vector<16xf32>,
      %gather3A_277 = tpu.vector_load_idx %arg17[%get3A_263] : memref<704xf32, #tpu.memory_space<vmem>>[vector<16xi32>], vector<16xf32>,
      %gather3A_278 = tpu.vector_load_idx %arg18[%get3A_263] : memref<704xf32, #tpu.memory_space<vmem>>[vector<16xi32>], vector<16xf32>,
      %gather3A_279 = tpu.vector_load_idx %arg19[%get3A_263] : memref<704xf32, #tpu.memory_space<vmem>>[vector<16xi32>], vector<16xf32>,
      %gather3A_280 = tpu.vector_load_idx %arg20[%get3A_263] : memref<704xf32, #tpu.memory_space<vmem>>[vector<16xi32>], vector<16xf32>,
      %gather3A_281 = tpu.vector_load_idx %arg21[%get3A_263] : memref<704xf32, #tpu.memory_space<vmem>>[vector<16xi32>], vector<16xf32>,
      %gather3A_282 = tpu.vector_load_idx %arg22[%get3A_263] : memref<704xf32, #tpu.memory_space<vmem>>[vector<16xi32>], vector<16xf32>,
      %sub3A = arith.subf %gather3A, %gather3A_268 : vector<16xf32>
      %mul3A_283 = arith.mulf %gather3A_274, %gather3A_271 : vector<16xf32>
      %mul3A_284 = arith.mulf %gather3A_275, %gather3A_272 : vector<16xf32>
      %add3A_285 = arith.addf %mul3A_283, %mul3A_284 : vector<16xf32>
      %mul3A_286 = arith.mulf %gather3A_276, %gather3A_273 : vector<16xf32>
      %add3A_287 = arith.addf %add3A_285, %mul3A_286 : vector<16xf32>
      %add3A_288 = arith.addf %sub3A, %add3A_287 : vector<16xf32>
      %sub3A_289 = arith.subf %gather3A_266, %gather3A_269 : vector<16xf32>
      %mul3A_290 = arith.mulf %gather3A_277, %gather3A_271 : vector<16xf32>
      %mul3A_291 = arith.mulf %gather3A_278, %gather3A_272 : vector<16xf32>
      %add3A_292 = arith.addf %mul3A_290, %mul3A_291 : vector<16xf32>
      %mul3A_293 = arith.mulf %gather3A_279, %gather3A_273 : vector<16xf32>
      %add3A_294 = arith.addf %add3A_292, %mul3A_293 : vector<16xf32>
      %add3A_295 = arith.addf %sub3A_289, %add3A_294 : vector<16xf32>
      %sub3A_296 = arith.subf %gather3A_267, %gather3A_270 : vector<16xf32>
      %mul3A_297 = arith.mulf %gather3A_280, %gather3A_271 : vector<16xf32>
      %mul3A_298 = arith.mulf %gather3A_281, %gather3A_272 : vector<16xf32>
      %add3A_299 = arith.addf %mul3A_297, %mul3A_298 : vector<16xf32>
      %mul3A_300 = arith.mulf %gather3A_282, %gather3A_273 : vector<16xf32>
      %add3A_301 = arith.addf %add3A_299, %mul3A_300 : vector<16xf32>
      %add3A_302 = arith.addf %sub3A_296, %add3A_301 : vector<16xf32>
      %mul3A_303 = arith.mulf %add3A_288, %add3A_288 : vector<16xf32>
      %add3A_304 = arith.addf %scan3A_260, %mul3A_303 : vector<16xf32>
      %mul3A_305 = arith.mulf %add3A_295, %add3A_295 : vector<16xf32>
      %add3A_306 = arith.addf %add3A_304, %mul3A_305 : vector<16xf32>
      %mul3A_307 = arith.mulf %add3A_302, %add3A_302 : vector<16xf32>
      %add3A_308 = arith.addf %add3A_306, %mul3A_307 : vector<16xf32>
      scf.yield %add3A_308 : vector<16xf32>
    }
    %scan3A_239 = arith.constant 25 : i32
    %swap3A = arith.constant 0 : index
    %swap3A_240 = tpu.vector_load %arg46[%swap3A] {strides = array<i32>} : memref<16xf32, #tpu.memory_space<vmem>>, vector<16xf32>,
    tpu.vector_store %arg46[%swap3A], %scan3A_238 {strides = array<i32>} : memref<16xf32, #tpu.memory_space<vmem>>, vector<16xf32>,
    %dma_start3A_241 = arith.constant 0 : i32
    %dma_start3A_242 = tpu.memref_slice %arg10[%add3A, %dma_start3A_241] : memref<32x16xf32, #tpu.memory_space<hbm>> -> memref<1x16xf32, #tpu.memory_space<hbm>>
    %dma_start3A_243 = tpu.memref_squeeze %dma_start3A_242 : memref<1x16xf32, #tpu.memory_space<hbm>> -> memref<16xf32, #tpu.memory_space<hbm>>
    %dma_start3A_244 = arith.constant 0 : i32
    %dma_start3A_245 = tpu.memref_slice %arg10[%add3A, %dma_start3A_244] : memref<32x16xf32, #tpu.memory_space<hbm>> -> memref<1x16xf32, #tpu.memory_space<hbm>>
    %dma_start3A_246 = tpu.memref_squeeze %dma_start3A_245 : memref<1x16xf32, #tpu.memory_space<hbm>> -> memref<16xf32, #tpu.memory_space<hbm>>
    tpu.enqueue_dma source(%arg46 : memref<16xf32, #tpu.memory_space<vmem>>) target(%dma_start3A_246 : memref<16xf32, #tpu.memory_space<hbm>>) target_semaphore(%arg47 : memref<!tpu.dma_semaphore, #tpu.memory_space<semaphore_mem>>)
    %dma_wait3A_247 = tpu.memref_slice %arg7[%multiple_of3A] : memref<7168xf32, #tpu.memory_space<hbm>> -> memref<224xf32, #tpu.memory_space<hbm>>
    %dma_wait3A_248 = tpu.memref_slice %arg7[%multiple_of3A] : memref<7168xf32, #tpu.memory_space<hbm>> -> memref<224xf32, #tpu.memory_space<hbm>>
    tpu.wait_dma2 semaphore(%arg47 : memref<!tpu.dma_semaphore, #tpu.memory_space<semaphore_mem>>) src(%arg41 : memref<224xf32, #tpu.memory_space<vmem>>) dst(%dma_wait3A_248 : memref<224xf32, #tpu.memory_space<hbm>>)
    %dma_wait3A_249 = tpu.memref_slice %arg8[%multiple_of3A] : memref<7168xf32, #tpu.memory_space<hbm>> -> memref<224xf32, #tpu.memory_space<hbm>>
    %dma_wait3A_250 = tpu.memref_slice %arg8[%multiple_of3A] : memref<7168xf32, #tpu.memory_space<hbm>> -> memref<224xf32, #tpu.memory_space<hbm>>
    tpu.wait_dma2 semaphore(%arg47 : memref<!tpu.dma_semaphore, #tpu.memory_space<semaphore_mem>>) src(%arg42 : memref<224xf32, #tpu.memory_space<vmem>>) dst(%dma_wait3A_250 : memref<224xf32, #tpu.memory_space<hbm>>)
    %dma_wait3A_251 = tpu.memref_slice %arg9[%multiple_of3A] : memref<7168xf32, #tpu.memory_space<hbm>> -> memref<224xf32, #tpu.memory_space<hbm>>
    %dma_wait3A_252 = tpu.memref_slice %arg9[%multiple_of3A] : memref<7168xf32, #tpu.memory_space<hbm>> -> memref<224xf32, #tpu.memory_space<hbm>>
    tpu.wait_dma2 semaphore(%arg47 : memref<!tpu.dma_semaphore, #tpu.memory_space<semaphore_mem>>) src(%arg43 : memref<224xf32, #tpu.memory_space<vmem>>) dst(%dma_wait3A_252 : memref<224xf32, #tpu.memory_space<hbm>>)
    %dma_wait3A_253 = arith.constant 0 : i32
    %dma_wait3A_254 = tpu.memref_slice %arg10[%add3A, %dma_wait3A_253] : memref<32x16xf32, #tpu.memory_space<hbm>> -> memref<1x16xf32, #tpu.memory_space<hbm>>
    %dma_wait3A_255 = tpu.memref_squeeze %dma_wait3A_254 : memref<1x16xf32, #tpu.memory_space<hbm>> -> memref<16xf32, #tpu.memory_space<hbm>>
    %dma_wait3A_256 = arith.constant 0 : i32
    %dma_wait3A_257 = tpu.memref_slice %arg10[%add3A, %dma_wait3A_256] : memref<32x16xf32, #tpu.memory_space<hbm>> -> memref<1x16xf32, #tpu.memory_space<hbm>>
    %dma_wait3A_258 = tpu.memref_squeeze %dma_wait3A_257 : memref<1x16xf32, #tpu.memory_space<hbm>> -> memref<16xf32, #tpu.memory_space<hbm>>
    tpu.wait_dma2 semaphore(%arg47 : memref<!tpu.dma_semaphore, #tpu.memory_space<semaphore_mem>>) src(%arg46 : memref<16xf32, #tpu.memory_space<vmem>>) dst(%dma_wait3A_258 : memref<16xf32, #tpu.memory_space<hbm>>)
    return
  }
}

module attributes {stable_mosaic.version = 14 : i64} {
  func.func @_rodrigues_body(%arg0: memref<8x704xf32, #tpu.memory_space<vmem>>, %arg1: memref<16x704xf32, #tpu.memory_space<vmem>>) attributes {dimension_semantics = [], scalar_prefetch = 0 : i64, scratch_operands = 0 : i64, tpu.core_type = #tpu.core_type<tc>} {
    %get3A = arith.constant 0 : index
    %get3A_0 = arith.constant 0 : index
    %get3A_1 = vector.load %arg0[%get3A, %get3A_0] : memref<8x704xf32, #tpu.memory_space<vmem>>, vector<1x704xf32>
    %get3A_2 = arith.constant 1 : index
    %get3A_3 = arith.constant 0 : index
    %get3A_4 = vector.load %arg0[%get3A_2, %get3A_3] : memref<8x704xf32, #tpu.memory_space<vmem>>, vector<1x704xf32>
    %get3A_5 = arith.constant 2 : index
    %get3A_6 = arith.constant 0 : index
    %get3A_7 = vector.load %arg0[%get3A_5, %get3A_6] : memref<8x704xf32, #tpu.memory_space<vmem>>, vector<1x704xf32>
    %add3A = arith.constant 9.99999993E-9 : f32
    %add3A_8 = vector.broadcast %add3A : f32 to vector<1x704xf32>
    %add3A_9 = arith.addf %get3A_1, %add3A_8 : vector<1x704xf32>
    %integer_pow3A = arith.mulf %add3A_9, %add3A_9 : vector<1x704xf32>
    %add3A_10 = arith.constant 9.99999993E-9 : f32
    %add3A_11 = vector.broadcast %add3A_10 : f32 to vector<1x704xf32>
    %add3A_12 = arith.addf %get3A_4, %add3A_11 : vector<1x704xf32>
    %integer_pow3A_13 = arith.mulf %add3A_12, %add3A_12 : vector<1x704xf32>
    %add3A_14 = arith.addf %integer_pow3A, %integer_pow3A_13 : vector<1x704xf32>
    %add3A_15 = arith.constant 9.99999993E-9 : f32
    %add3A_16 = vector.broadcast %add3A_15 : f32 to vector<1x704xf32>
    %add3A_17 = arith.addf %get3A_7, %add3A_16 : vector<1x704xf32>
    %integer_pow3A_18 = arith.mulf %add3A_17, %add3A_17 : vector<1x704xf32>
    %add3A_19 = arith.addf %add3A_14, %integer_pow3A_18 : vector<1x704xf32>
    %sqrt3A = math.sqrt %add3A_19 : vector<1x704xf32>
    %div3A = arith.divf %get3A_1, %sqrt3A : vector<1x704xf32>
    %div3A_20 = arith.divf %get3A_4, %sqrt3A : vector<1x704xf32>
    %div3A_21 = arith.divf %get3A_7, %sqrt3A : vector<1x704xf32>
    %cos3A = math.cos %sqrt3A : vector<1x704xf32>
    %sin3A = math.sin %sqrt3A : vector<1x704xf32>
    %sub3A = arith.constant 1.000000e+00 : f32
    %sub3A_22 = vector.broadcast %sub3A : f32 to vector<1x704xf32>
    %sub3A_23 = arith.subf %sub3A_22, %cos3A : vector<1x704xf32>
    %mul3A = arith.mulf %sub3A_23, %div3A : vector<1x704xf32>
    %mul3A_24 = arith.mulf %mul3A, %div3A : vector<1x704xf32>
    %add3A_25 = arith.addf %cos3A, %mul3A_24 : vector<1x704xf32>
    %mul3A_26 = arith.mulf %sub3A_23, %div3A : vector<1x704xf32>
    %mul3A_27 = arith.mulf %mul3A_26, %div3A_20 : vector<1x704xf32>
    %mul3A_28 = arith.mulf %sin3A, %div3A_21 : vector<1x704xf32>
    %sub3A_29 = arith.subf %mul3A_27, %mul3A_28 : vector<1x704xf32>
    %mul3A_30 = arith.mulf %sub3A_23, %div3A : vector<1x704xf32>
    %mul3A_31 = arith.mulf %mul3A_30, %div3A_21 : vector<1x704xf32>
    %mul3A_32 = arith.mulf %sin3A, %div3A_20 : vector<1x704xf32>
    %add3A_33 = arith.addf %mul3A_31, %mul3A_32 : vector<1x704xf32>
    %mul3A_34 = arith.mulf %sub3A_23, %div3A : vector<1x704xf32>
    %mul3A_35 = arith.mulf %mul3A_34, %div3A_20 : vector<1x704xf32>
    %mul3A_36 = arith.mulf %sin3A, %div3A_21 : vector<1x704xf32>
    %add3A_37 = arith.addf %mul3A_35, %mul3A_36 : vector<1x704xf32>
    %mul3A_38 = arith.mulf %sub3A_23, %div3A_20 : vector<1x704xf32>
    %mul3A_39 = arith.mulf %mul3A_38, %div3A_20 : vector<1x704xf32>
    %add3A_40 = arith.addf %cos3A, %mul3A_39 : vector<1x704xf32>
    %mul3A_41 = arith.mulf %sub3A_23, %div3A_20 : vector<1x704xf32>
    %mul3A_42 = arith.mulf %mul3A_41, %div3A_21 : vector<1x704xf32>
    %mul3A_43 = arith.mulf %sin3A, %div3A : vector<1x704xf32>
    %sub3A_44 = arith.subf %mul3A_42, %mul3A_43 : vector<1x704xf32>
    %mul3A_45 = arith.mulf %sub3A_23, %div3A : vector<1x704xf32>
    %mul3A_46 = arith.mulf %mul3A_45, %div3A_21 : vector<1x704xf32>
    %mul3A_47 = arith.mulf %sin3A, %div3A_20 : vector<1x704xf32>
    %sub3A_48 = arith.subf %mul3A_46, %mul3A_47 : vector<1x704xf32>
    %mul3A_49 = arith.mulf %sub3A_23, %div3A_20 : vector<1x704xf32>
    %mul3A_50 = arith.mulf %mul3A_49, %div3A_21 : vector<1x704xf32>
    %mul3A_51 = arith.mulf %sin3A, %div3A : vector<1x704xf32>
    %add3A_52 = arith.addf %mul3A_50, %mul3A_51 : vector<1x704xf32>
    %mul3A_53 = arith.mulf %sub3A_23, %div3A_21 : vector<1x704xf32>
    %mul3A_54 = arith.mulf %mul3A_53, %div3A_21 : vector<1x704xf32>
    %add3A_55 = arith.addf %cos3A, %mul3A_54 : vector<1x704xf32>
    %broadcast_in_dim3A = arith.constant 0.000000e+00 : f32
    %broadcast_in_dim3A_56 = vector.broadcast %broadcast_in_dim3A : f32 to vector<1x704xf32>
    %concatenate3A = tpu.concatenate %add3A_25, %sub3A_29, %add3A_33, %add3A_37, %add3A_40, %sub3A_44, %sub3A_48, %add3A_52, %add3A_55, %broadcast_in_dim3A_56, %broadcast_in_dim3A_56, %broadcast_in_dim3A_56, %broadcast_in_dim3A_56, %broadcast_in_dim3A_56, %broadcast_in_dim3A_56, %broadcast_in_dim3A_56 in 0 : vector<1x704xf32>, vector<1x704xf32>, vector<1x704xf32>, vector<1x704xf32>, vector<1x704xf32>, vector<1x704xf32>, vector<1x704xf32>, vector<1x704xf32>, vector<1x704xf32>, vector<1x704xf32>, vector<1x704xf32>, vector<1x704xf32>, vector<1x704xf32>, vector<1x704xf32>, vector<1x704xf32>, vector<1x704xf32> -> vector<16x704xf32>
    %swap3A = arith.constant 0 : index
    %swap3A_57 = arith.constant 0 : index
    %swap3A_58 = vector.load %arg1[%swap3A, %swap3A_57] : memref<16x704xf32, #tpu.memory_space<vmem>>, vector<16x704xf32>
    tpu.vector_store %arg1[%swap3A, %swap3A_57], %concatenate3A {strides = array<i32>} : memref<16x704xf32, #tpu.memory_space<vmem>>, vector<16x704xf32>,
    return
  }
}

module attributes {stable_mosaic.version = 14 : i64} {
  func.func @_reduce_body(%arg0: memref<32x16xf32, #tpu.memory_space<vmem>>, %arg1: memref<1x1xf32, #tpu.memory_space<smem>>) attributes {dimension_semantics = [], scalar_prefetch = 0 : i64, scratch_operands = 0 : i64, tpu.core_type = #tpu.core_type<tc>} {
    %get3A = arith.constant 0 : index
    %get3A_0 = arith.constant 0 : index
    %get3A_1 = vector.load %arg0[%get3A, %get3A_0] : memref<32x16xf32, #tpu.memory_space<vmem>>, vector<32x16xf32>
    %reduce_sum3A = vector.shape_cast %get3A_1 : vector<32x16xf32> to vector<1x32x16xf32>
    %reduce_sum3A_2 = arith.constant dense<0.000000e+00> : vector<1xf32>
    %reduce_sum3A_3 = vector.multi_reduction <add>, %reduce_sum3A, %reduce_sum3A_2 [1, 2] : vector<1x32x16xf32> to vector<1xf32>
    %reduce_sum3A_4 = vector.shape_cast %reduce_sum3A_3 : vector<1xf32> to vector<1x1x1xf32>
    %reduce_sum3A_5 = vector.extract %reduce_sum3A_4[0, 0, 0] : f32 from vector<1x1x1xf32>
    %div3A = arith.constant 6.890000e+02 : f32
    %div3A_6 = arith.divf %reduce_sum3A_5, %div3A : f32
    %swap3A = arith.constant 0 : index
    %swap3A_7 = arith.constant 0 : index
    %swap3A_8 = memref.load %arg1[%swap3A, %swap3A_7] : memref<1x1xf32, #tpu.memory_space<smem>>
    memref.store %div3A_6, %arg1[%swap3A, %swap3A_7] : memref<1x1xf32, #tpu.memory_space<smem>>
    return
  }
}

</mosaic_0001>

<sc_bundles>
// kernel: kernel.5.cloned.1.call-start
scs
__scs_entry_jumppad:
0x0: {  	(pc) =	sbr.rel $0x88, $3  }
0x1: {  	(tag) =	ssettag $0x0;
	lr =	simm.s32 $0x1  }
0x2: {  	[smem:$0x3F9A] =	sst lr;
	_ =	strace $0xD0000000  }
0x3: {  	_ = 	snop  }
0x4: {  	_ = 	snop  }
0x5: {  	_ = 	snop  }
0x6: {  	_ = 	snop  }
0x7: {  	_ = 	snop  }
__scs_overlays_trampoline_lowered:
0x8: {  	[smem:$0x3FA9] =	sst s0  }
0x9: {  	[smem:$0x3FAA] =	sst s1  }
0xa: {  	[smem:$0x3FAB] =	sst s2  }
0xb: {  	[smem:$0x3FAC] =	sst s3  }
0xc: {  	[smem:$0x3FAD] =	sst s4  }
0xd: {  	[smem:$0x3FAE] =	sst s5  }
0xe: {  	[smem:$0x3FAF] =	sst s6  }
0xf: {  	[smem:$0x3FB0] =	sst s7  }
0x10: {  	[smem:$0x3FB1] =	sst s8  }
0x11: {  	[smem:$0x3FB2] =	sst s9;
	s0 =	simm.s32 @!p0 $0x0  }
0x12: {  	s1 =	sld [smem:$0x3F98];
	s0 =	simm.s32 @p0 $0x1  }
0x13: {  	[smem:$0x3FB3] =	sst s0;
	s0 =	simm.s32 @!p1 $0x0  }
0x14: {  	s2 =	sld [smem:$0x3F97];
	s0 =	simm.s32 @p1 $0x1  }
0x15: {  	[smem:$0x3FB4] =	sst s0;
	s0 =	simm.s32 @!p2 $0x0  }
0x16: {  	s3 =	sld [smem:$0x3FDB];
	s0 =	simm.s32 @p2 $0x1  }
0x17: {  	s4 =	simm.s32 $0x1BF5;
	[smem:$0x3FB6] =	sst s0  }
0x18: {  	s0 =	sld [smem:$0x3F99];
	_ =	swait.ge [sflag:s4], $0x0  }
0x19: {  	s7 =	sld [smem:$0x3F9A]  }
0x1a: {  	s8 =	sadd.s32 $0xFFFFE003, lr  }
0x1b: {  	s9 =	sadd.s32 $0xFFFFFEF7, lr;
	s5 =	simm.s32 $0xFFFFFFFF;
	p2 =	slt.u32 s8, $0xFFFFF086  }
0x1c: {  	p1 =	slt.u32 s9, $0xF7A;
	s5 =	simm.s32 @!p2 $0x0  }
0x1d: {  	s5 =	simm.s32 @p1 $0x1;
	p0 =	seq.s32 s7, s2  }
0x1e: {  	s7 =	smul.u32 @!p0 $0xF7A, s2;
	p2 =	seq.s32 @!p0 s5, $0x0  }
0x1f: {  	s9 =	smul.u32 $0xF7A, s1;
	s8 =	simm.s32 @!p0 $0x1BF5;
	p2 =	por !p2, p0  }
0x20: {  	[sflag:s8] =	ssyncset.s32 @!p0 $0xFFFFF086;
	s6 =	sadd.s32 @!p0 s3, s7;
	s7 =	simm.s32 @!p0 $0x108  }
0x21: {  	s3 =	sadd.s32 s3, s9;
	s6 =	sadd.s32 @!p0 $0x88, s6;
	s7 =	simm.s32 @p2 $0x1082  }
0x22: {  	[simem:s7], [sflag:s8] =	dma.local @!p0 [hbm:s6], $0xF7A  }
0x23: {  	s9 =	sor.u32 $0xD0000000, s2;
	s6 =	simm.s32 $0x108;
	_ =	swait.ge @!p0 [sflag:s8], $0x0  }
0x24: {  	s3 =	sadd.s32 $0x88, s3;
	s6 =	simm.s32 @!p1 $0x1082;
	[sflag:s4] =	ssyncset.s32 $0xFFFFF086  }
0x25: {  	[simem:s6], [sflag:s4] =	dma.local [hbm:s3], $0xF7A  }
0x26: {  	[smem:$0x3F9A] =	sst s1;
	(tag) =	ssettag s2;
	_ =	strace s9  }
0x27: {  	s1 =	sld [smem:$0x3FAA]  }
0x28: {  	s2 =	sld [smem:$0x3FAB]  }
0x29: {  	s4 =	sld [smem:$0x3FAD]  }
0x2a: {  	p0 =	seq.s32 s5, $0x0;
	s5 =	sld [smem:$0x3FAE]  }
0x2b: {  	s6 =	sld [smem:$0x3FAF]  }
0x2c: {  	s7 =	sld [smem:$0x3FB0]  }
0x2d: {  	s3 =	simm.s32 $0x108;
	s8 =	sld [smem:$0x3FB1]  }
0x2e: {  	s3 =	simm.s32 @!p0 $0x1082;
	s9 =	sld [smem:$0x3FB2]  }
0x2f: {  	lr =	sadd.s32 s0, s3;
	s0 =	sld [smem:$0x3FA9]  }
0x30: {  	s3 =	sld [smem:$0x3FAC]  }
0x31: {  	[smem:$0x3FB5] =	sst s10  }
0x32: {  	s10 =	sld [smem:$0x3FB3];
	_ =	sdelay $0x3  }
0x33: {  	p0 =	seq.s32 s10, $0x1;
	s10 =	sld [smem:$0x3FB5];
	_ =	sdelay $0x3  }
0x34: {  	[smem:$0x3FB5] =	sst s10  }
0x35: {  	s10 =	sld [smem:$0x3FB4];
	_ =	sdelay $0x3  }
0x36: {  	p1 =	seq.s32 s10, $0x1;
	s10 =	sld [smem:$0x3FB5];
	_ =	sdelay $0x3  }
0x37: {  	[smem:$0x3FB5] =	sst s10  }
0x38: {  	s10 =	sld [smem:$0x3FB6]  }
0x39: {  	_ = 	snop;
	(pc) =	sbr.ind lr, $3  }
0x3a: {  	_ = 	snop  }
0x3b: {  	_ = 	snop  }
0x3c: {  	p2 =	seq.s32 s10, $0x1;
	s10 =	sld [smem:$0x3FB5]  }
0x3d: {  	_ =	shalt  }
0x3e: {  	_ =	shalt  }
0x3f: {  	_ =	shalt  }
0x40: {  	_ =	shalt  }
0x41: {  	_ =	shalt  }
0x42: {  	_ =	shalt  }
0x43: {  	_ =	shalt  }
0x44: {  	_ =	shalt  }
0x45: {  	_ =	shalt  }
0x46: {  	_ =	shalt  }
0x47: {  	_ =	shalt  }
0x48: {  	_ =	shalt  }
0x49: {  	_ =	shalt  }
0x4a: {  	_ =	shalt  }
0x4b: {  	_ =	shalt  }
0x4c: {  	_ =	shalt  }
0x4d: {  	_ =	shalt  }
0x4e: {  	_ =	shalt  }
0x4f: {  	_ =	shalt  }
0x50: {  	_ =	shalt  }
0x51: {  	_ =	shalt  }
0x52: {  	_ =	shalt  }
0x53: {  	_ =	shalt  }
0x54: {  	_ =	shalt  }
0x55: {  	_ =	shalt  }
0x56: {  	_ =	shalt  }
0x57: {  	_ =	shalt  }
0x58: {  	_ =	shalt  }
0x59: {  	_ =	shalt  }
0x5a: {  	_ =	shalt  }
0x5b: {  	_ =	shalt  }
0x5c: {  	_ =	shalt  }
0x5d: {  	_ =	shalt  }
0x5e: {  	_ =	shalt  }
0x5f: {  	_ =	shalt  }
0x60: {  	_ =	shalt  }
0x61: {  	_ =	shalt  }
0x62: {  	_ =	shalt  }
0x63: {  	_ =	shalt  }
0x64: {  	_ =	shalt  }
0x65: {  	_ =	shalt  }
0x66: {  	_ =	shalt  }
0x67: {  	_ =	shalt  }
0x68: {  	_ =	shalt  }
0x69: {  	_ =	shalt  }
0x6a: {  	_ =	shalt  }
0x6b: {  	_ =	shalt  }
0x6c: {  	_ =	shalt  }
0x6d: {  	_ =	shalt  }
0x6e: {  	_ =	shalt  }
0x6f: {  	_ =	shalt  }
0x70: {  	_ =	shalt  }
0x71: {  	_ =	shalt  }
0x72: {  	_ =	shalt  }
0x73: {  	_ =	shalt  }
0x74: {  	_ =	shalt  }
0x75: {  	_ =	shalt  }
0x76: {  	_ =	shalt  }
0x77: {  	_ =	shalt  }
0x78: {  	_ =	shalt  }
0x79: {  	_ =	shalt  }
0x7a: {  	_ =	shalt  }
0x7b: {  	_ =	shalt  }
0x7c: {  	_ =	shalt  }
0x7d: {  	_ =	shalt  }
0x7e: {  	_ =	shalt  }
0x7f: {  	_ =	shalt  }
0x80: {  	_ =	shalt  }
0x81: {  	_ =	shalt  }
0x82: {  	_ =	shalt  }
0x83: {  	_ =	shalt  }
0x84: {  	_ =	shalt  }
0x85: {  	_ =	shalt  }
0x86: {  	_ =	shalt  }
0x87: {  	_ =	shalt  }
.Lfunc_end0:
.L_simem_size_0:
called_computation_lowered:
.L_overlay_start_0:
0x88: {  	s2 =	sld [smem:$0x3FD9]  }
0x89: {  	s3 =	sld [smem:$0x3FFE];
	_ =	sdelay $0x1  }
0x8a: {  	s1 =	srdreg.scid  }
0x8b: {  	s0 =	sand.u32 $0x1, s1  }
0x8c: {  	s14 =	sshll.u32 s0, $0xA;
	s2 =	sadd.s32 s3, s2  }
0x8d: {  	s2 =	sadd.s32 s2, s14  }
0x8e: {  	[smem:$0x3FC1] =	sst s2  }
0x8f: {  	_ = 	snop  }
0x90: {  	s2 =	sld [smem:$0x3FD0];
	_ =	sdelay $0x2  }
0x91: {  	s15 =	simm.s32 $0xA;
	s4 =	simm.s32 $0x10  }
0x92: {  	[smem:s4], [sflag:s15] =	dma.local [hbm:s2], $0x1  }
0x93: {  	_ =	swait.eq [sflag:s15], $0x1  }
0x94: {  	[sflag:s15] =	ssyncset.done $0x0  }
0x95: {  	[sflag:s15] =	ssyncadd.s32 $0xFFFFFFFF  }
0x96: {  	s16 =	sld [smem:$0x10];
	(tm) =	ssettm $0x1  }
0x97: {  	s17 =	sld [smem:$0x3FFB];
	_ =	sdelay $0x3  }
0x98: {  	_ =	strace s17  }
0x99: {  	s3 =	sld [smem:$0x3FFC];
	_ =	sdelay $0x3  }
0x9a: {  	_ =	strace s3  }
0x9b: {  	s3 =	sld [smem:$0x3FFD];
	_ =	sdelay $0x3  }
0x9c: {  	_ =	strace s3  }
0x9d: {  	_ =	strace $0x8FFFFFFF  }
0x9e: {  	s18 =	sld [smem:$0x3FDB];
	_ =	sdelay $0x1  }
0x9f: {  	s19 =	simm.s32 $_scs_section_size  }
0xa0: {  	s5 =	simm.s32 $_size__tile_overlayer_lowered;
	s6 =	simm.s32 $_tile_overlayer_lowered  }
0xa1: {  	s22 =	simm.s32 $0x1BFF;
	s21 =	sshll.u32 s6, $0x1;
	s3 =	sadd.s32 s19, s18  }
0xa2: {  	s7 =	simm.s32 $0x0;
	s20 =	sshll.u32 s5, $0x1;
	s5 =	sadd.s32 s21, s3  }
0xa3: {  	[timem:s7], [sflag:s22] =	dma.local [hbm:s5], s20  }
0xa4: {  	_ =	swait.ge [sflag:s22], s20  }
0xa5: {  	s4 =	ssub.s32 $0x0, s20;
	[sflag:s22] =	ssyncset.done $0x0  }
0xa6: {  	[sflag:s22] =	ssyncadd.s32 s4;
	_ =	sdelay $0x1  }
0xa7: {  	s23 =	simm.s32 $0x1B8B  }
0xa8: {  	_ =	swait.ge [sflag:s23], $0x1  }
0xa9: {  	[sflag:s23] =	ssyncset.done $0x0  }
0xaa: {  	s25 =	simm.s32 $0x1B8E;
	s24 =	sld [smem:$0x3FFE];
	[sflag:s23] =	ssyncadd.s32 $0xFFFFFFFF  }
0xab: {  	s26 =	simm.s32 $execute0_lowered;
	[smem:$0x3FD2] =	sst s25  }
0xac: {  	s5 =	sshll.u32 s26, $0x1;
	_ =	strace $0x80000046;
	[dreg:$0x1] =	wrdreg $0xFFFFFFFF  }
0xad: {  	s28 =	simm.s32 $_size_execute0_lowered;
	s3 =	sadd.s32 s3, s5;
	[dreg:$0x0] =	wrdreg $0x0  }
0xae: {  	s5 =	sshll.u32 s28, $0x1;
	[dreg:$0x2] =	wrdreg s3  }
0xaf: {  	[dreg:$0x3] =	wrdreg s5  }
0xb0: {  	[dreg:$0x4] =	wrdreg $0xC0  }
0xb1: {  	_ =	task [dreg:s7], $0x5FFFF  }
0xb2: {  	[dreg:$0x1] =	wrdreg $0xFFFFFFFF  }
0xb3: {  	[dreg:$0x0] =	wrdreg $0x60  }
0xb4: {  	[dreg:$0x2] =	wrdreg s24  }
0xb5: {  	[dreg:$0x3] =	wrdreg s16  }
0xb6: {  	[dreg:$0x4] =	wrdreg $0x9  }
0xb7: {  	_ =	task.clear_ibuf [dreg:s7], $0x5FFFF;
	_ =	strace $0x90000046  }
0xb8: {  	s29 =	simm.s32 $0x9;
	_ =	strace $0x80000048  }
0xb9: {  	_ =	swait.ge [sflag:s29], $0x1  }
0xba: {  	[sflag:s29] =	ssyncadd.s32 $0xFFFFFFFF  }
0xbb: {  	_ =	strace $0x90000048  }
0xbc: {  	_ =	sfence  }
0xbd: {  	s30 =	sld [smem:$0x0];
	_ =	sdelay $0x2  }
0xbe: {  	s31 =	sshll.u32 s1, $0xD;
	s1 =	sshrl.u32 s1, $0x2  }
0xbf: {  	s3 =	sand.u32 $0x4000, s31;
	s1 =	sadd.s32 s1, s30  }
0xc0: {  	s0 =	sor.u32 s3, s0;
	s1 =	sshll.u32 s1, $0x11  }
0xc1: {  	s0 =	sor.u32 s1, s0  }
0xc2: {  	s0 =	sadd.s32 $0x8F2B, s0  }
0xc3: {  	[sflag:s0] =	ssyncadd.remote.s32 $0x1  }
0xc4: {  	_ =	sfence.sel $0xFFFF  }
0xc5: {  	[dreg:$0x0] =	wrdreg $0xFFFFFFFF;
	(pc) =	sbr.abs _section_cstart, $3  }
0xc6: {  	[dreg:$0x1] =	wrdreg $0xFFFFFFFF  }
0xc7: {  	_ =	task.clear_ibuf [dreg:s7], $0x2FFFF;
	_ =	strace $0x9FFFFFFF  }
0xc8: {  	(tm) =	ssettm $0x7FFFFFFF  }
0xc9: {  	_ =	shalt  }
tec
execute0_lowered:
.L_overlay_start_1:
0x0: {  	(tag) =	ssettag $0x1  }
0x1: {  	s0 =	rddreg [dreg:$0x0]  }
0x2: {  	s3 =	rddreg [dreg:$0x1];
	s2 =	simm.s32 $0x0  }
0x3: {  	[smem:$0x7FF] =	sst s2;
	s7 =	sadd.s32 $0x1E00, s0  }
0x4: {  	s19 =	sadd.s32 $0x4C00, s0;
	_ =	strace $0x80000047;
	[dreg:$0x4] =	wrdreg s7  }
0x5: {  	s20 =	sadd.s32 $0x2EA0, s0;
	[dreg:$0x5] =	wrdreg s19  }
0x6: {  	s21 =	sadd.s32 $0x3940, s0;
	[dreg:$0x6] =	wrdreg s20  }
0x7: {  	s22 =	sadd.s32 $0x1E10, s0;
	[dreg:$0x7] =	wrdreg s21  }
0x8: {  	s23 =	sadd.s32 $0x1E20, s0;
	[dreg:$0x8] =	wrdreg s22  }
0x9: {  	s1 =	srdreg.scid;
	s24 =	sadd.s32 $0x1E30, s0;
	[dreg:$0x9] =	wrdreg s23  }
0xa: {  	s11 =	stileid.u32;
	s25 =	sadd.s32 $0x1E40, s0;
	[dreg:$0xa] =	wrdreg s24  }
0xb: {  	s29 =	simm.s32 $0x0;
	s26 =	sadd.s32 $0x1E50, s0;
	[dreg:$0xb] =	wrdreg s25  }
0xc: {  	s1 =	sand.u32 $0x1, s1;
	s13 =	sadd.s32 $0x1E60, s0;
	[dreg:$0xc] =	wrdreg s26  }
0xd: {  	s4 =	sshll.u32 s11, $0x1;
	s14 =	sadd.s32 $0x1E70, s0;
	[dreg:$0xd] =	wrdreg s13  }
0xe: {  	s12 =	sadd.s32 $0x2400, s0;
	s15 =	sadd.s32 $0x2100, s0;
	[dreg:$0xe] =	wrdreg s14  }
0xf: {  	s28 =	smul.u32 $0x700, s11;
	s16 =	sadd.s32 $0x2ABC, s0;
	[dreg:$0xf] =	wrdreg s15  }
0x10: {  	s17 =	sadd.s32 $0x355C, s0;
	s11 =	simm.s32 $0x6300;
	[dreg:$0x11] =	wrdreg s16  }
0x11: {  	s4 =	sor.u32 s1, s4;
	s8 =	ssub.s32 $0x2, s1;
	[dreg:$0x12] =	wrdreg s17  }
0x12: {  	s1 =	smul.u32 $0x380, s1;
	[dreg:$0x3] =	wrdreg s12;
	s13 =	simm.s32 $0x6900  }
0x13: {  	s14 =	simm.s32 $0x6C00;
	s15 =	simm.s32 $0x1;
	s5 =	smul.u32 $0x32, s4  }
0x14: {  	s16 =	simm.s32 $0x8D00;
	s6 =	smul.u32 $0xE0, s4;
	s4 =	sshll.u32 s4, $0x4  }
0x15: {  	s17 =	simm.s32 $0x9000;
	s10 =	sshrl.u32 s8, $0x1;
	s4 =	sadd.s32 s4, s0  }
0x16: {  	s8 =	ssub.s32 s8, s10;
	s1 =	sadd.s32 s1, s28;
	s10 =	simm.s32 $0x6000  }
0x17: {  	s7 =	sadd.s32 s5, s0;
	s6 =	sshrl.u32 s6, $0x3;
	s3 =	sadd.s32 s3, s5  }
0x18: {  	s30 =	sadd.s32 $0x5A00, s4;
	s31 =	smax.u32 s8, $0x1;
	s4 =	simm.s32 $0x80  }
0x19: {  	s9 =	sadd.s32 s6, s0;
	[dreg:$0x10] =	wrdreg s3;
	s0 =	sadd.s32 $0x3FFC, s0  }
0x1a: {  	s18 =	sadd.s32 s12, s6;
	s24 =	sadd.s32 $0x4400, s7;
	[dreg:$0x13] =	wrdreg s0  }
0x1b: {  	s5 =	simm.s32 $0x400;
	s19 =	sadd.s32 $0x714, s18;
	[dreg:$0x19] =	wrdreg s24  }
0x1c: {  	s8 =	simm.s32 $0x5A00;
	s20 =	sadd.s32 $0x11B4, s18;
	[dreg:$0x14] =	wrdreg s19  }
0x1d: {  	s6 =	simm.s32 $0x5400;
	s21 =	sadd.s32 $0x1C54, s18;
	[dreg:$0x15] =	wrdreg s20  }
0x1e: {  	s7 =	simm.s32 $0x5700;
	s22 =	sadd.s32 $0x35E, s18;
	[dreg:$0x16] =	wrdreg s21  }
0x1f: {  	s12 =	simm.s32 $0x6600;
	s23 =	sadd.s32 $0xDFE, s18;
	[dreg:$0x17] =	wrdreg s22  }
0x20: {  	s3 =	simm.s32 $0x8400;
	s25 =	sadd.s32 $0x4E00, s9;
	[dreg:$0x18] =	wrdreg s23  }
0x21: {  	s26 =	sadd.s32 $0x5200, s9;
	s28 =	sadd.s32 $0x5600, s9;
	[dreg:$0x1a] =	wrdreg s25  }
0x22: {  	s0 =	simm.s32 $0x3800;
	s9 =	simm.s32 $0x5D00;
	[dreg:$0x1b] =	wrdreg s26  }
0x23: {  	s18 =	simm.s32 $0x9300;
	[dreg:$0x1c] =	wrdreg s28;
	s23 =	sshrl.u32 s1, $0x2  }
0x24: {  	s1 =	simm.s32 $0x1C00;
	s19 =	simm.s32 $0x8700;
	s20 =	simm.s32 $0x8A00  }
0x25: {  	s21 =	simm.s32 $0x7B00;
	s24 =	sadd.s32 $0x1C00, s23;
	s25 =	sadd.s32 $0x3800, s23  }
0x26: {  	s22 =	simm.s32 $0x7E00;
	v0 =	vmov s23;
	s23 =	simm.s32 $0x8100;
	v1 =	vmov s24;
	v2 =	vmov s25;
	s24 =	simm.s32 $0x0  }
.LBB2_1:
0x27: {  	s25 =	rddreg [dreg:$0x3]  }
0x28: {  	[tilespmem:s2], [sflag:$0x1] =	stream.linear.gather [hbm4b:s25+s2], $0x1C00, $0x38;
	[tilespmem:$0xA280] =	vst v63  }
0x29: {  	s26 =	rddreg [dreg:$0x6]  }
0x2a: {  	[tilespmem:s1], [sflag:$0x1] =	stream.linear.gather [hbm4b:s26+s2], $0x1C00, $0x38;
	[tilespmem:$0xA280] =	vst v63  }
0x2b: {  	s26 =	rddreg [dreg:$0x7]  }
0x2c: {  	[tilespmem:s0], [sflag:$0x1] =	stream.linear.gather [hbm4b:s26+s2], $0x1C00, $0x38;
	[tilespmem:$0xA280] =	vst v63  }
0x2d: {  	s25 =	rddreg [dreg:$0x5];
	s26 =	simm.s32 $0x7800  }
0x2e: {  	[tilespmem:s26], [sflag:$0x1] =	stream.linear.gather [hbm4b:s25+s2], $0x300, $0x38;
	[tilespmem:$0xA280] =	vst v63  }
0x2f: {  	s26 =	rddreg [dreg:$0x4]  }
0x30: {  	[tilespmem:s6], [sflag:$0x1] =	stream.strided.gather [hbm4b:s26+s4], $0x300, s5, s4, $0x38;
	[tilespmem:$0xA280] =	vst v63  }
0x31: {  	s26 =	rddreg [dreg:$0x8]  }
0x32: {  	[tilespmem:s7], [sflag:$0x1] =	stream.strided.gather [hbm4b:s26+s4], $0x300, s5, s4, $0x38;
	[tilespmem:$0xA280] =	vst v63  }
0x33: {  	s26 =	rddreg [dreg:$0x9]  }
0x34: {  	[tilespmem:s8], [sflag:$0x1] =	stream.strided.gather [hbm4b:s26+s4], $0x300, s5, s4, $0x38;
	[tilespmem:$0xA280] =	vst v63  }
0x35: {  	s26 =	rddreg [dreg:$0xa]  }
0x36: {  	[tilespmem:s9], [sflag:$0x1] =	stream.strided.gather [hbm4b:s26+s4], $0x300, s5, s4, $0x38;
	[tilespmem:$0xA280] =	vst v63  }
0x37: {  	s26 =	rddreg [dreg:$0xb]  }
0x38: {  	[tilespmem:s10], [sflag:$0x1] =	stream.strided.gather [hbm4b:s26+s4], $0x300, s5, s4, $0x38;
	[tilespmem:$0xA280] =	vst v63  }
0x39: {  	s26 =	rddreg [dreg:$0xc]  }
0x3a: {  	[tilespmem:s11], [sflag:$0x1] =	stream.strided.gather [hbm4b:s26+s4], $0x300, s5, s4, $0x38;
	[tilespmem:$0xA280] =	vst v63  }
0x3b: {  	s26 =	rddreg [dreg:$0xd]  }
0x3c: {  	[tilespmem:s12], [sflag:$0x1] =	stream.strided.gather [hbm4b:s26+s4], $0x300, s5, s4, $0x38;
	[tilespmem:$0xA280] =	vst v63  }
0x3d: {  	s26 =	rddreg [dreg:$0xe]  }
0x3e: {  	[tilespmem:s13], [sflag:$0x1] =	stream.strided.gather [hbm4b:s26+s4], $0x300, s5, s4, $0x38;
	[tilespmem:$0xA280] =	vst v63  }
0x3f: {  	s26 =	rddreg [dreg:$0xf]  }
0x40: {  	[tilespmem:s14], [sflag:$0x1] =	stream.strided.gather [hbm4b:s26+s4], $0x300, s5, s4, $0x38;
	[tilespmem:$0xA280] =	vst v63  }
0x41: {  	s25 =	rddreg [dreg:$0x11];
	s26 =	simm.s32 $0x6F00  }
0x42: {  	[tilespmem:s26], [sflag:$0x1] =	stream.linear.gather [hbm4b:s25+s2], $0x2C0, $0x38;
	[tilespmem:$0xA280] =	vst v63  }
0x43: {  	s25 =	rddreg [dreg:$0x12];
	s26 =	simm.s32 $0x7200  }
0x44: {  	[tilespmem:s26], [sflag:$0x1] =	stream.linear.gather [hbm4b:s25+s2], $0x2C0, $0x38;
	[tilespmem:$0xA280] =	vst v63  }
0x45: {  	s25 =	rddreg [dreg:$0x13];
	s26 =	simm.s32 $0x7500  }
0x46: {  	[tilespmem:s26], [sflag:$0x1] =	stream.linear.gather [hbm4b:s25+s2], $0x2C0, $0x38;
	[tilespmem:$0xA280] =	vst v63  }
0x47: {  	s25 =	rddreg [dreg:$0x14];
	s26 =	simm.s32 $0x9600  }
0x48: {  	[tilespmem:s26], [sflag:$0x1] =	stream.linear.gather [hbm4b:s25+s2], $0xE0, $0x38;
	[tilespmem:$0xA280] =	vst v63  }
0x49: {  	s25 =	rddreg [dreg:$0x15];
	s26 =	simm.s32 $0x9700  }
0x4a: {  	[tilespmem:s26], [sflag:$0x1] =	stream.linear.gather [hbm4b:s25+s2], $0xE0, $0x38;
	[tilespmem:$0xA280] =	vst v63  }
0x4b: {  	s25 =	rddreg [dreg:$0x16];
	s26 =	simm.s32 $0x9800  }
0x4c: {  	[tilespmem:s26], [sflag:$0x1] =	stream.linear.gather [hbm4b:s25+s2], $0xE0, $0x38;
	[tilespmem:$0xA280] =	vst v63  }
0x4d: {  	s25 =	rddreg [dreg:$0x17];
	s26 =	simm.s32 $0x9900  }
0x4e: {  	[tilespmem:s26], [sflag:$0x1] =	stream.linear.gather [hbm4b:s25+s2], $0xE0, $0x38;
	[tilespmem:$0xA280] =	vst v63  }
0x4f: {  	s25 =	rddreg [dreg:$0x18];
	s26 =	simm.s32 $0x9A00  }
0x50: {  	[tilespmem:s26], [sflag:$0x1] =	stream.linear.gather [hbm4b:s25+s2], $0xE0, $0x38;
	[tilespmem:$0xA280] =	vst v63  }
0x51: {  	s25 =	rddreg [dreg:$0x10];
	s26 =	simm.s32 $0x9E00  }
0x52: {  	[tilespmem:s26], [sflag:$0x1] =	stream.linear.gather [hbm4b:s25+s2], $0x190, $0x38;
	[tilespmem:$0xA280] =	vst v63  }
0x53: {  	s25 =	rddreg [dreg:$0x19];
	s26 =	simm.s32 $0xA000  }
0x54: {  	[tilespmem:s26], [sflag:$0x1] =	stream.linear.gather [hbm4b:s25+s2], $0x190, $0x38;
	[tilespmem:$0xA280] =	vst v63  }
0x55: {  	_ =	swait.ge [sflag:s15], $0x1C00  }
0x56: {  	[sflag:s15] =	ssyncset.done $0x0  }
0x57: {  	[sflag:s15] =	ssyncadd.s32 $0xFFFFE400  }
0x58: {  	_ =	swait.ge [sflag:s15], $0x1C00  }
0x59: {  	[sflag:s15] =	ssyncset.done $0x0  }
0x5a: {  	[sflag:s15] =	ssyncadd.s32 $0xFFFFE400  }
0x5b: {  	_ =	swait.ge [sflag:s15], $0x1C00  }
0x5c: {  	[sflag:s15] =	ssyncset.done $0x0  }
0x5d: {  	[sflag:s15] =	ssyncadd.s32 $0xFFFFE400  }
0x5e: {  	_ =	swait.ge [sflag:s15], $0x300  }
0x5f: {  	[sflag:s15] =	ssyncset.done $0x0  }
0x60: {  	[sflag:s15] =	ssyncadd.s32 $0xFFFFFD00  }
0x61: {  	_ =	swait.ge [sflag:s15], $0x300  }
0x62: {  	[sflag:s15] =	ssyncset.done $0x0  }
0x63: {  	[sflag:s15] =	ssyncadd.s32 $0xFFFFFD00  }
0x64: {  	_ =	swait.ge [sflag:s15], $0x300  }
0x65: {  	[sflag:s15] =	ssyncset.done $0x0  }
0x66: {  	[sflag:s15] =	ssyncadd.s32 $0xFFFFFD00  }
0x67: {  	_ =	swait.ge [sflag:s15], $0x300  }
0x68: {  	[sflag:s15] =	ssyncset.done $0x0  }
0x69: {  	[sflag:s15] =	ssyncadd.s32 $0xFFFFFD00  }
0x6a: {  	_ =	swait.ge [sflag:s15], $0x300  }
0x6b: {  	[sflag:s15] =	ssyncset.done $0x0  }
0x6c: {  	[sflag:s15] =	ssyncadd.s32 $0xFFFFFD00  }
0x6d: {  	_ =	swait.ge [sflag:s15], $0x300  }
0x6e: {  	[sflag:s15] =	ssyncset.done $0x0  }
0x6f: {  	[sflag:s15] =	ssyncadd.s32 $0xFFFFFD00  }
0x70: {  	_ =	swait.ge [sflag:s15], $0x300  }
0x71: {  	[sflag:s15] =	ssyncset.done $0x0  }
0x72: {  	[sflag:s15] =	ssyncadd.s32 $0xFFFFFD00  }
0x73: {  	_ =	swait.ge [sflag:s15], $0x300  }
0x74: {  	[sflag:s15] =	ssyncset.done $0x0  }
0x75: {  	[sflag:s15] =	ssyncadd.s32 $0xFFFFFD00  }
0x76: {  	_ =	swait.ge [sflag:s15], $0x300  }
0x77: {  	[sflag:s15] =	ssyncset.done $0x0  }
0x78: {  	[sflag:s15] =	ssyncadd.s32 $0xFFFFFD00  }
0x79: {  	_ =	swait.ge [sflag:s15], $0x300  }
0x7a: {  	[sflag:s15] =	ssyncset.done $0x0  }
0x7b: {  	[sflag:s15] =	ssyncadd.s32 $0xFFFFFD00  }
0x7c: {  	_ =	swait.ge [sflag:s15], $0x2C0  }
0x7d: {  	[sflag:s15] =	ssyncset.done $0x0  }
0x7e: {  	[sflag:s15] =	ssyncadd.s32 $0xFFFFFD40  }
0x7f: {  	_ =	swait.ge [sflag:s15], $0x2C0  }
0x80: {  	[sflag:s15] =	ssyncset.done $0x0  }
0x81: {  	[sflag:s15] =	ssyncadd.s32 $0xFFFFFD40  }
0x82: {  	_ =	swait.ge [sflag:s15], $0x2C0  }
0x83: {  	[sflag:s15] =	ssyncset.done $0x0  }
0x84: {  	[sflag:s15] =	ssyncadd.s32 $0xFFFFFD40  }
0x85: {  	_ =	swait.ge [sflag:s15], $0xE0  }
0x86: {  	[sflag:s15] =	ssyncset.done $0x0  }
0x87: {  	[sflag:s15] =	ssyncadd.s32 $0xFFFFFF20  }
0x88: {  	_ =	swait.ge [sflag:s15], $0xE0  }
0x89: {  	[sflag:s15] =	ssyncset.done $0x0  }
0x8a: {  	[sflag:s15] =	ssyncadd.s32 $0xFFFFFF20  }
0x8b: {  	_ =	swait.ge [sflag:s15], $0xE0  }
0x8c: {  	[sflag:s15] =	ssyncset.done $0x0  }
0x8d: {  	[sflag:s15] =	ssyncadd.s32 $0xFFFFFF20  }
0x8e: {  	_ =	swait.ge [sflag:s15], $0xE0  }
0x8f: {  	[sflag:s15] =	ssyncset.done $0x0  }
0x90: {  	[sflag:s15] =	ssyncadd.s32 $0xFFFFFF20  }
0x91: {  	_ =	swait.ge [sflag:s15], $0xE0  }
0x92: {  	[sflag:s15] =	ssyncset.done $0x0  }
0x93: {  	[sflag:s15] =	ssyncadd.s32 $0xFFFFFF20  }
0x94: {  	_ =	swait.ge [sflag:s15], $0x190  }
0x95: {  	[sflag:s15] =	ssyncset.done $0x0  }
0x96: {  	[sflag:s15] =	ssyncadd.s32 $0xFFFFFE70  }
0x97: {  	_ =	swait.ge [sflag:s15], $0x190  }
0x98: {  	[sflag:s15] =	ssyncset.done $0x0  }
0x99: {  	s25 =	simm.s32 $0x0;
	[sflag:s15] =	ssyncadd.s32 $0xFFFFFE70  }
0x9a: {  	v3 =	vld [tilespmem:s25+$0x6F00]  }
0x9b: {  	v4 =	vld [tilespmem:s25+$0x7800]  }
0x9c: {  	v5 =	vld [tilespmem:s25+$0x7200]  }
0x9d: {  	v6 =	vld [tilespmem:s25+$0x5A00]  }
0x9e: {  	v9 =	vld [tilespmem:s25+$0x5400]  }
0x9f: {  	v10 =	vld [tilespmem:s25+$0x5700]  }
0xa0: {  	v11 =	vld [tilespmem:s25+$0x5D00]  }
0xa1: {  	v12 =	vld [tilespmem:s25+$0x6000]  }
0xa2: {  	v13 =	vld [tilespmem:s25+$0x6600]  }
0xa3: {  	v16 =	vld [tilespmem:s25+$0x6900]  }
0xa4: {  	v14 =	vld.idx.msk [tilespmem:v4+s2+$0x0], $0xffff  }
0xa5: {  	v15 =	vld.idx.msk [tilespmem:v4+s1+$0x0], $0xffff  }
0xa6: {  	v17 =	vld [tilespmem:s25+$0x6C00]  }
0xa7: {  	v7 =	vld.idx.msk [tilespmem:v4+s0+$0x0], $0xffff  }
0xa8: {  	v18 =	vld [tilespmem:s25+$0x6300]  }
0xa9: {  	v8 =	vld [tilespmem:s25+$0x7500];
	[tilespmem:s25+$0x7B00] =	vst v14;
	v4 =	vadd.f32 v3, v14;
	v19 =	vmul.f32 v9, v14;
	v20 =	vmul.f32 v11, v14  }
0xaa: {  	[tilespmem:s25+$0x7E00] =	vst v15;
	v5 =	vadd.f32 v5, v15;
	v11 =	vmul.f32 v13, v14;
	v13 =	vmul.f32 v16, v15  }
0xab: {  	s26 =	simm.s32 $0x10;
	v14 =	vmul.f32 v10, v15;
	v12 =	vmul.f32 v12, v15;
	[tilespmem:s25+$0x8400] =	vst v4  }
0xac: {  	v9 =	vmul.f32 v6, v7;
	v10 =	vadd.f32 v13, v11;
	v11 =	vmul.f32 v17, v7;
	v3 =	vld [tilespmem:s26+$0x6F00];
	[tilespmem:s25+$0x8700] =	vst v5  }
0xad: {  	s28 =	simm.s32 $0x80;
	v14 =	vadd.f32 v14, v19;
	v12 =	vadd.f32 v12, v20;
	v13 =	vmul.f32 v18, v7;
	v6 =	vld [tilespmem:s26+$0x7800];
	[tilespmem:s25+$0x8100] =	vst v7  }
.LBB2_2:
0xae: {  	p0 =	sne.s32 s28, $0xAC0;
	v15 =	vld [tilespmem:s26+$0x7200];
	v7 =	vadd.f32 v8, v7;
	v8 =	vadd.f32 v11, v10  }
0xaf: {  	v10 =	vld [tilespmem:s26+$0x5A00];
	v9 =	vadd.f32 v9, v14;
	v11 =	vadd.f32 v13, v12  }
0xb0: {  	v12 =	vld [tilespmem:s26+$0x5400];
	[tilespmem:s25+$0x8A00] =	vst v7;
	v7 =	vsub.f32 v7, v8  }
0xb1: {  	v13 =	vld [tilespmem:s26+$0x5700];
	v4 =	vsub.f32 v4, v9;
	v5 =	vsub.f32 v5, v11  }
0xb2: {  	v9 =	vld [tilespmem:s26+$0x5D00];
	[tilespmem:s25+$0x9300] =	vst v7  }
0xb3: {  	v11 =	vld [tilespmem:s26+$0x6000];
	[tilespmem:s25+$0x8D00] =	vst v4  }
0xb4: {  	v14 =	vld [tilespmem:s26+$0x6600];
	[tilespmem:s25+$0x9000] =	vst v5;
	s25 =	smov.u32 s26  }
0xb5: {  	v16 =	vld.idx.msk [tilespmem:v6+s29+$0x0], $0xffff  }
0xb6: {  	v17 =	vld.idx.msk [tilespmem:v6+s1+$0x0], $0xffff  }
0xb7: {  	v18 =	vld [tilespmem:s25+$0x6900]  }
0xb8: {  	v7 =	vld.idx.msk [tilespmem:v6+s0+$0x0], $0xffff  }
0xb9: {  	v6 =	vld [tilespmem:s25+$0x6C00]  }
0xba: {  	v19 =	vld [tilespmem:s25+$0x6300]  }
.Ltmp0:
0xbb: {  	v4 =	vadd.f32 v3, v16;
	v12 =	vmul.f32 v12, v16;
	v20 =	vmul.f32 v9, v16;
	[tilespmem:s25+$0x7B00] =	vst v16;
	v8 =	vld [tilespmem:s25+$0x7500];
	(pc) =	sbr.rel @p0 .LBB2_2-.Ltmp0, $4  }
0xbc: {  	v14 =	vmul.f32 v14, v16;
	v5 =	vadd.f32 v15, v17;
	[tilespmem:s25+$0x7E00] =	vst v17;
	v15 =	vmul.f32 v18, v17  }
0xbd: {  	s26 =	sshra.s32 s28, $0x2;
	v13 =	vmul.f32 v13, v17;
	v16 =	vmul.f32 v11, v17;
	[tilespmem:s25+$0x8400] =	vst v4  }
0xbe: {  	v9 =	vmul.f32 v10, v7;
	v3 =	vld [tilespmem:s26+$0x6F00];
	[tilespmem:s25+$0x8700] =	vst v5;
	v10 =	vadd.f32 v15, v14;
	v11 =	vmul.f32 v6, v7  }
0xbf: {  	s28 =	sadd.s32 $0x40, s28;
	v14 =	vadd.f32 v13, v12;
	v12 =	vadd.f32 v16, v20;
	v6 =	vld [tilespmem:s26+$0x7800];
	[tilespmem:s25+$0x8100] =	vst v7;
	v13 =	vmul.f32 v19, v7  }
0xc0: {  	_ = 	snop  }
0xc1: {  	v15 =	vld [tilespmem:s26+$0x7200];
	v7 =	vadd.f32 v8, v7;
	v10 =	vadd.f32 v11, v10  }
0xc2: {  	v8 =	vld [tilespmem:s26+$0x5A00];
	v9 =	vadd.f32 v9, v14  }
0xc3: {  	v11 =	vld [tilespmem:s26+$0x5400];
	v12 =	vadd.f32 v13, v12;
	[tilespmem:s25+$0x8A00] =	vst v7;
	v7 =	vsub.f32 v7, v10  }
0xc4: {  	v10 =	vld [tilespmem:s26+$0x5700];
	v4 =	vsub.f32 v4, v9  }
0xc5: {  	v14 =	vld [tilespmem:s26+$0x5D00];
	v5 =	vsub.f32 v5, v12;
	[tilespmem:s25+$0x9300] =	vst v7  }
0xc6: {  	v7 =	vld [tilespmem:s26+$0x6000];
	[tilespmem:s25+$0x8D00] =	vst v4  }
0xc7: {  	v4 =	vld [tilespmem:s26+$0x6600];
	[tilespmem:s25+$0x9000] =	vst v5  }
0xc8: {  	v5 =	vld.idx.msk [tilespmem:v6+s29+$0x0], $0xffff  }
0xc9: {  	v9 =	vld.idx.msk [tilespmem:v6+s1+$0x0], $0xffff  }
0xca: {  	v12 =	vld [tilespmem:s26+$0x6900]  }
0xcb: {  	v6 =	vld.idx.msk [tilespmem:v6+s0+$0x0], $0xffff  }
0xcc: {  	v13 =	vld [tilespmem:s26+$0x6C00]  }
0xcd: {  	v16 =	vld [tilespmem:s26+$0x6300]  }
0xce: {  	v17 =	vld [tilespmem:s26+$0x7500];
	v11 =	vmul.f32 v11, v5;
	v14 =	vmul.f32 v14, v5  }
0xcf: {  	v4 =	vmul.f32 v4, v5;
	v12 =	vmul.f32 v12, v9  }
0xd0: {  	[tilespmem:s26+$0x7B00] =	vst v5;
	v3 =	vadd.f32 v3, v5;
	v5 =	vmul.f32 v10, v9;
	v7 =	vmul.f32 v7, v9  }
0xd1: {  	v10 =	vadd.f32 v15, v9;
	v4 =	vadd.f32 v12, v4;
	v12 =	vmul.f32 v13, v6  }
0xd2: {  	[tilespmem:s26+$0x7E00] =	vst v9;
	v8 =	vmul.f32 v8, v6;
	v5 =	vadd.f32 v5, v11;
	v7 =	vadd.f32 v7, v14  }
0xd3: {  	v9 =	vmul.f32 v16, v6;
	[tilespmem:s26+$0x8100] =	vst v6;
	v11 =	vadd.f32 v17, v6;
	v4 =	vadd.f32 v12, v4  }
0xd4: {  	[tilespmem:s26+$0x8400] =	vst v3;
	v5 =	vadd.f32 v8, v5  }
0xd5: {  	[tilespmem:s26+$0x8700] =	vst v10;
	v6 =	vadd.f32 v9, v7;
	v4 =	vsub.f32 v11, v4  }
0xd6: {  	[tilespmem:s26+$0x8A00] =	vst v11;
	v3 =	vsub.f32 v3, v5  }
0xd7: {  	v5 =	vsub.f32 v10, v6;
	[tilespmem:s26+$0x9300] =	vst v4  }
0xd8: {  	[tilespmem:s26+$0x8D00] =	vst v3  }
0xd9: {  	s25 =	simm.s32 $0x0;
	[tilespmem:s26+$0x9000] =	vst v5  }
0xda: {  	v7 =	vld [tilespmem:s25+$0x9600]  }
0xdb: {  	v5 =	vld [tilespmem:s25+$0x9700]  }
0xdc: {  	v6 =	vld [tilespmem:s25+$0x9800];
	_ =	sdelay $0x3  }
0xdd: {  	v3 =	vld [tilespmem:s25+$0x9A00]  }
0xde: {  	v4 =	vld [tilespmem:s25+$0x9900]  }
0xdf: {  	v8 =	vld.idx.msk [tilespmem:v7+s11+$0x0], $0xffff  }
0xe0: {  	v15 =	vld.idx.msk [tilespmem:v5+s7+$0x0], $0xffff  }
0xe1: {  	v10 =	vld.idx.msk [tilespmem:v6+s16+$0x0], $0xffff  }
0xe2: {  	v16 =	vld.idx.msk [tilespmem:v5+s9+$0x0], $0xffff  }
0xe3: {  	v14 =	vld.idx.msk [tilespmem:v6+s17+$0x0], $0xffff  }
0xe4: {  	v18 =	vld.idx.msk [tilespmem:v5+s11+$0x0], $0xffff  }
0xe5: {  	v17 =	vld.idx.msk [tilespmem:v7+s8+$0x0], $0xffff  }
0xe6: {  	v22 =	vld.idx.msk [tilespmem:v5+s8+$0x0], $0xffff  }
0xe7: {  	v19 =	vld.idx.msk [tilespmem:v6+s8+$0x0], $0xffff  }
0xe8: {  	p0 =	por $0x1, $0x1;
	v9 =	vsub.f32 $1.000000000e+00, v4;
	v11 =	vld.idx.msk [tilespmem:v6+s10+$0x0], $0xffff  }
.Ltmp1:
0xe9: {  	v20 =	vld.idx.msk [tilespmem:v7+s14+$0x0], $0xffff;
	(pc) =	sbr.rel @!p0 .LBB2_5-.Ltmp1, $4  }
0xea: {  	v9 =	vsub.f32 v9, v3;
	v12 =	vld.idx.msk [tilespmem:v6+s6+$0x0], $0xffff  }
0xeb: {  	v21 =	vld.idx.msk [tilespmem:v5+s12+$0x0], $0xffff;
	v13 =	vmul.f32 v8, v4;
	v23 =	vmul.f32 v17, v4  }
0xec: {  	v8 =	vmul.f32 v10, v9;
	v10 =	vmul.f32 v14, v9;
	v17 =	vld.idx.msk [tilespmem:v6+s14+$0x0], $0xffff  }
0xed: {  	s26 =	simm.s32 $0x40;
	v14 =	vmul.f32 v18, v3;
	v22 =	vmul.f32 v22, v3;
	v18 =	vld.idx.msk [tilespmem:v6+s7+$0x0], $0xffff;
	v23 =	vadd.f32 $0.0e+00, v23  }
.LBB2_4:
0xee: {  	p0 =	sne.s32 s26, $0x340;
	v24 =	vld.idx.msk [tilespmem:v5+s14+$0x0], $0xffff;
	v19 =	vmul.f32 v19, v9;
	s28 =	smov.u32 s26;
	s26 =	sadd.s32 $0x40, s26  }
0xef: {  	v20 =	vmul.f32 v20, v4;
	v25 =	vld.idx.msk [tilespmem:v5+s6+$0x0], $0xffff;
	v22 =	vadd.f32 v22, v23  }
0xf0: {  	v23 =	vld.idx.msk [tilespmem:v6+s12+$0x0], $0xffff  }
0xf1: {  	v21 =	vmul.f32 v21, v3;
	v19 =	vadd.f32 v19, v22;
	v22 =	vld.idx.msk [tilespmem:v6+s13+$0x0], $0xffff  }
0xf2: {  	v16 =	vmul.f32 v16, v3;
	v26 =	vld.idx.msk [tilespmem:v7+s13+$0x0], $0xffff  }
0xf3: {  	v27 =	vld.idx.msk [tilespmem:v7+s10+$0x0], $0xffff  }
0xf4: {  	v24 =	vmul.f32 v24, v3;
	v28 =	vld.idx.msk [tilespmem:v7+s9+$0x0], $0xffff  }
0xf5: {  	v15 =	vmul.f32 v15, v3;
	v29 =	vld.idx.msk [tilespmem:v7+s7+$0x0], $0xffff  }
0xf6: {  	v20 =	vadd.f32 $0.0e+00, v20;
	v25 =	vmul.f32 v25, v3;
	v30 =	vld.idx.msk [tilespmem:v7+s6+$0x0], $0xffff  }
0xf7: {  	v18 =	vmul.f32 v18, v9;
	v31 =	vld.idx.msk [tilespmem:v5+s13+$0x0], $0xffff  }
0xf8: {  	v17 =	vmul.f32 v17, v9;
	v20 =	vadd.f32 v24, v20;
	v26 =	vmul.f32 v26, v4;
	v32 =	vld.idx.msk [tilespmem:v5+s10+$0x0], $0xffff  }
0xf9: {  	v22 =	vmul.f32 v22, v9;
	v24 =	vld.idx.msk [tilespmem:v7+s12+$0x0], $0xffff  }
0xfa: {  	v12 =	vmul.f32 v12, v9;
	v17 =	vadd.f32 v17, v20;
	v28 =	vmul.f32 v28, v4;
	v33 =	vld.idx.msk [tilespmem:v6+s9+$0x0], $0xffff  }
0xfb: {  	v13 =	vadd.f32 $0.0e+00, v13;
	v20 =	vmul.f32 v29, v4  }
0xfc: {  	v23 =	vmul.f32 v23, v9;
	v29 =	vmul.f32 v30, v4;
	v28 =	vadd.f32 $0.0e+00, v28;
	v30 =	vld.idx.msk [tilespmem:v6+s11+$0x0], $0xffff  }
0xfd: {  	v13 =	vadd.f32 v14, v13;
	v27 =	vmul.f32 v27, v4;
	v14 =	vmul.f32 v31, v3;
	v31 =	vld.idx.msk [tilespmem:v0+s25+$0x0 ss:$0x1], $0xffff  }
0xfe: {  	v26 =	vadd.f32 $0.0e+00, v26;
	v29 =	vadd.f32 $0.0e+00, v29;
	v32 =	vmul.f32 v32, v3;
	v34 =	vld.idx.msk [tilespmem:v7+s18+$0x0], $0xffff  }
0xff: {  	v27 =	vadd.f32 $0.0e+00, v27;
	v16 =	vadd.f32 v16, v28;
	v24 =	vmul.f32 v24, v4;
	v28 =	vld.idx.msk [tilespmem:v1+s25+$0x0 ss:$0x1], $0xffff  }
0x100: {  	v20 =	vadd.f32 $0.0e+00, v20;
	v14 =	vadd.f32 v14, v26;
	v33 =	vmul.f32 v33, v9;
	v26 =	vld.idx.msk [tilespmem:v5+s18+$0x0], $0xffff  }
0x101: {  	v25 =	vadd.f32 v25, v29;
	v24 =	vadd.f32 $0.0e+00, v24;
	v29 =	vld.idx.msk [tilespmem:v2+s25+$0x0 ss:$0x1], $0xffff  }
0x102: {  	v11 =	vmul.f32 v11, v9;
	v27 =	vadd.f32 v32, v27;
	v16 =	vadd.f32 v33, v16;
	v35 =	vld.idx.msk [tilespmem:v7+s17+$0x0], $0xffff  }
0x103: {  	v14 =	vadd.f32 v22, v14;
	v21 =	vadd.f32 v21, v24;
	v24 =	vmul.f32 v30, v9  }
0x104: {  	v15 =	vadd.f32 v15, v20;
	v12 =	vadd.f32 v12, v25;
	v22 =	vmul.f32 v34, v4;
	v20 =	vld.idx.msk [tilespmem:v5+s17+$0x0], $0xffff  }
0x105: {  	v11 =	vadd.f32 v11, v27;
	v25 =	vld.idx.msk [tilespmem:v7+s16+$0x0], $0xffff;
	v7 =	vadd.f32 v24, v13;
	v13 =	vmul.f32 v31, v16  }
0x106: {  	v12 =	vmul.f32 v31, v12;
	v21 =	vadd.f32 v23, v21;
	v16 =	vadd.f32 $0.0e+00, v22;
	v22 =	vld.idx.msk [tilespmem:v6+s18+$0x0], $0xffff  }
0x107: {  	s28 =	sshra.s32 s28, $0x2;
	v15 =	vadd.f32 v18, v15;
	v14 =	vmul.f32 v28, v14;
	v23 =	vld.idx.msk [tilespmem:v5+s16+$0x0], $0xffff;
	v18 =	vmul.f32 v29, v7  }
0x108: {  	v26 =	vmul.f32 v26, v3;
	v24 =	vmul.f32 v35, v4;
	v7 =	vld [tilespmem:s28+$0x9600]  }
0x109: {  	v11 =	vmul.f32 v28, v11;
	v21 =	vmul.f32 v31, v21;
	v5 =	vld [tilespmem:s28+$0x9700]  }
0x10a: {  	v17 =	vmul.f32 v29, v17;
	v24 =	vadd.f32 $0.0e+00, v24;
	v20 =	vmul.f32 v20, v3;
	v6 =	vld [tilespmem:s28+$0x9800]  }
0x10b: {  	v15 =	vmul.f32 v28, v15;
	v16 =	vadd.f32 v26, v16;
	v4 =	vmul.f32 v25, v4  }
0x10c: {  	v11 =	vadd.f32 v11, v13;
	v20 =	vadd.f32 v20, v24;
	v9 =	vmul.f32 v22, v9  }
0x10d: {  	v12 =	vadd.f32 v15, v12;
	v13 =	vadd.f32 $0.0e+00, v4;
	v22 =	vmul.f32 v23, v3  }
0x10e: {  	v15 =	vmul.f32 v29, v19;
	v11 =	vadd.f32 v18, v11;
	v10 =	vadd.f32 v10, v20;
	v3 =	vld [tilespmem:s28+$0x9A00]  }
0x10f: {  	v14 =	vadd.f32 v14, v21;
	v13 =	vadd.f32 v22, v13;
	v4 =	vld [tilespmem:s28+$0x9900]  }
0x110: {  	v12 =	vadd.f32 v15, v12;
	v9 =	vadd.f32 v9, v16  }
0x111: {  	v8 =	vadd.f32 v8, v13;
	v13 =	vadd.f32 v17, v14  }
0x112: {  	v10 =	vadd.f32 v11, v10  }
0x113: {  	v8 =	vadd.f32 v12, v8;
	v9 =	vadd.f32 v13, v9  }
0x114: {  	v11 =	vsub.f32 $1.000000000e+00, v4;
	[tilespmem:s25+$0x9C00] =	vst v10  }
0x115: {  	[tilespmem:s25+$0x9B00] =	vst v8  }
0x116: {  	[tilespmem:s25+$0x9D00] =	vst v9;
	s25 =	smov.u32 s28  }
0x117: {  	v8 =	vld.idx.msk [tilespmem:v7+s11+$0x0], $0xffff  }
0x118: {  	v15 =	vld.idx.msk [tilespmem:v5+s7+$0x0], $0xffff  }
0x119: {  	v10 =	vld.idx.msk [tilespmem:v6+s16+$0x0], $0xffff  }
0x11a: {  	v16 =	vld.idx.msk [tilespmem:v5+s9+$0x0], $0xffff  }
0x11b: {  	v12 =	vld.idx.msk [tilespmem:v6+s17+$0x0], $0xffff  }
0x11c: {  	v14 =	vld.idx.msk [tilespmem:v5+s11+$0x0], $0xffff  }
0x11d: {  	v9 =	vsub.f32 v11, v3;
	v13 =	vmul.f32 v8, v4;
	v17 =	vld.idx.msk [tilespmem:v7+s8+$0x0], $0xffff  }
0x11e: {  	v18 =	vld.idx.msk [tilespmem:v5+s8+$0x0], $0xffff  }
0x11f: {  	v8 =	vmul.f32 v10, v9;
	v19 =	vld.idx.msk [tilespmem:v6+s8+$0x0], $0xffff  }
0x120: {  	v11 =	vld.idx.msk [tilespmem:v6+s10+$0x0], $0xffff  }
.Ltmp2:
0x121: {  	v10 =	vmul.f32 v12, v9;
	v20 =	vld.idx.msk [tilespmem:v7+s14+$0x0], $0xffff;
	(pc) =	sbr.rel @p0 .LBB2_4-.Ltmp2, $4  }
0x122: {  	v14 =	vmul.f32 v14, v3;
	v12 =	vld.idx.msk [tilespmem:v6+s6+$0x0], $0xffff  }
0x123: {  	v23 =	vmul.f32 v17, v4;
	v21 =	vld.idx.msk [tilespmem:v5+s12+$0x0], $0xffff  }
0x124: {  	v22 =	vmul.f32 v18, v3;
	v17 =	vld.idx.msk [tilespmem:v6+s14+$0x0], $0xffff  }
0x125: {  	v23 =	vadd.f32 $0.0e+00, v23;
	v18 =	vld.idx.msk [tilespmem:v6+s7+$0x0], $0xffff  }
.LBB2_5:
0x126: {  	_ =	sdelay $0x3  }
0x127: {  	v24 =	vld.idx.msk [tilespmem:v5+s14+$0x0], $0xffff  }
0x128: {  	v25 =	vld.idx.msk [tilespmem:v5+s6+$0x0], $0xffff  }
0x129: {  	v26 =	vld.idx.msk [tilespmem:v6+s13+$0x0], $0xffff  }
0x12a: {  	v27 =	vld.idx.msk [tilespmem:v7+s13+$0x0], $0xffff  }
0x12b: {  	v28 =	vld.idx.msk [tilespmem:v7+s10+$0x0], $0xffff  }
0x12c: {  	v29 =	vld.idx.msk [tilespmem:v7+s9+$0x0], $0xffff  }
0x12d: {  	v19 =	vmul.f32 v19, v9;
	v20 =	vmul.f32 v20, v4;
	v30 =	vld.idx.msk [tilespmem:v7+s7+$0x0], $0xffff  }
0x12e: {  	v16 =	vmul.f32 v16, v3;
	v41 =	vld.idx.msk [tilespmem:v7+s6+$0x0], $0xffff;
	v15 =	vmul.f32 v15, v3  }
0x12f: {  	v31 =	vld.idx.msk [tilespmem:v5+s13+$0x0], $0xffff;
	v11 =	vmul.f32 v11, v9;
	v12 =	vmul.f32 v12, v9  }
0x130: {  	v43 =	vld.idx.msk [tilespmem:v5+s10+$0x0], $0xffff;
	v21 =	vmul.f32 v21, v3;
	v17 =	vmul.f32 v17, v9  }
0x131: {  	v13 =	vadd.f32 $0.0e+00, v13;
	v34 =	vld.idx.msk [tilespmem:v6+s11+$0x0], $0xffff;
	v18 =	vmul.f32 v18, v9;
	v24 =	vmul.f32 v24, v3  }
0x132: {  	v35 =	vld.idx.msk [tilespmem:v7+s18+$0x0], $0xffff;
	v22 =	vadd.f32 v22, v23;
	v42 =	vmul.f32 v25, v3;
	v27 =	vmul.f32 v27, v4  }
0x133: {  	v44 =	vld.idx.msk [tilespmem:v7+s12+$0x0], $0xffff;
	v20 =	vadd.f32 $0.0e+00, v20;
	v29 =	vmul.f32 v29, v4;
	v26 =	vmul.f32 v26, v9  }
0x134: {  	v32 =	vld.idx.msk [tilespmem:v6+s9+$0x0], $0xffff;
	v13 =	vadd.f32 v14, v13;
	v30 =	vmul.f32 v30, v4;
	v23 =	vmul.f32 v41, v4  }
0x135: {  	v49 =	vld.idx.msk [tilespmem:v7+s17+$0x0], $0xffff;
	v19 =	vadd.f32 v19, v22;
	v28 =	vmul.f32 v28, v4;
	v14 =	vmul.f32 v31, v3  }
0x136: {  	v7 =	vld.idx.msk [tilespmem:v7+s16+$0x0], $0xffff;
	v51 =	vmul.f32 v34, v9;
	v20 =	vadd.f32 v24, v20;
	v29 =	vadd.f32 $0.0e+00, v29  }
0x137: {  	v33 =	vld.idx.msk [tilespmem:v6+s12+$0x0], $0xffff;
	v52 =	vmul.f32 v35, v4;
	v23 =	vadd.f32 $0.0e+00, v23;
	v27 =	vadd.f32 $0.0e+00, v27  }
0x138: {  	v48 =	vld.idx.msk [tilespmem:v2+s25+$0x0 ss:$0x1], $0xffff;
	v25 =	vmul.f32 v43, v3;
	v28 =	vadd.f32 $0.0e+00, v28;
	v30 =	vadd.f32 $0.0e+00, v30  }
0x139: {  	v53 =	vld.idx.msk [tilespmem:v5+s17+$0x0], $0xffff;
	v24 =	vmul.f32 v44, v4;
	v13 =	vadd.f32 v51, v13;
	v55 =	vadd.f32 $0.0e+00, v52  }
0x13a: {  	v50 =	vld.idx.msk [tilespmem:v5+s18+$0x0], $0xffff;
	v56 =	vmul.f32 v49, v4;
	v16 =	vadd.f32 v16, v29;
	v14 =	vadd.f32 v14, v27  }
0x13b: {  	v5 =	vld.idx.msk [tilespmem:v5+s16+$0x0], $0xffff;
	v4 =	vmul.f32 v7, v4;
	v24 =	vadd.f32 $0.0e+00, v24;
	v22 =	vadd.f32 v42, v23  }
0x13c: {  	v6 =	vld.idx.msk [tilespmem:v6+s18+$0x0], $0xffff;
	v47 =	vmul.f32 v32, v9;
	v25 =	vadd.f32 v25, v28;
	v15 =	vadd.f32 v15, v30  }
0x13d: {  	v45 =	vld.idx.msk [tilespmem:v0+s25+$0x0 ss:$0x1], $0xffff;
	v54 =	vmul.f32 v33, v9;
	v17 =	vadd.f32 v17, v20;
	v4 =	vadd.f32 $0.0e+00, v4  }
0x13e: {  	v46 =	vld.idx.msk [tilespmem:v1+s25+$0x0 ss:$0x1], $0xffff;
	v57 =	vmul.f32 v53, v3;
	v16 =	vadd.f32 v47, v16;
	v21 =	vadd.f32 v21, v24  }
0x13f: {  	v13 =	vmul.f32 v48, v13;
	v14 =	vadd.f32 v26, v14;
	v12 =	vadd.f32 v12, v22  }
0x140: {  	v11 =	vadd.f32 v11, v25;
	v15 =	vadd.f32 v18, v15;
	v18 =	vmul.f32 v50, v3  }
0x141: {  	v22 =	vadd.f32 $0.0e+00, v56;
	v3 =	vmul.f32 v5, v3;
	v5 =	vmul.f32 v6, v9  }
0x142: {  	v16 =	vmul.f32 v45, v16;
	v12 =	vmul.f32 v45, v12;
	v21 =	vadd.f32 v54, v21  }
0x143: {  	v11 =	vmul.f32 v46, v11;
	v7 =	vadd.f32 v18, v55;
	v15 =	vmul.f32 v46, v15  }
0x144: {  	v14 =	vmul.f32 v46, v14;
	v18 =	vadd.f32 v57, v22;
	v3 =	vadd.f32 v3, v4  }
0x145: {  	v20 =	vmul.f32 v45, v21;
	v11 =	vadd.f32 v11, v16;
	v6 =	vadd.f32 v15, v12  }
0x146: {  	v9 =	vadd.f32 v10, v18;
	v10 =	vmul.f32 v48, v19;
	v5 =	vadd.f32 v5, v7  }
0x147: {  	v4 =	vmul.f32 v48, v17;
	v11 =	vadd.f32 v13, v11;
	v12 =	vadd.f32 v14, v20  }
0x148: {  	v3 =	vadd.f32 v8, v3;
	v6 =	vadd.f32 v10, v6  }
0x149: {  	v4 =	vadd.f32 v4, v12;
	v7 =	vadd.f32 v11, v9  }
0x14a: {  	v3 =	vadd.f32 v6, v3  }
0x14b: {  	v4 =	vadd.f32 v4, v5;
	[tilespmem:s25+$0x9C00] =	vst v7  }
0x14c: {  	[tilespmem:s25+$0x9B00] =	vst v3  }
0x14d: {  	s26 =	rddreg [dreg:$0x1a];
	s28 =	simm.s32 $0x9B00;
	[tilespmem:s25+$0x9D00] =	vst v4;
	s25 =	simm.s32 $0x0  }
0x14e: {  	[hbm4b:s26+s25] =	stream.linear.scatter [tilespmem:s28], [sflag:$0x1], $0xE0, $0x38;
	[tilespmem:$0xA280] =	vst v63  }
0x14f: {  	s26 =	rddreg [dreg:$0x1b];
	s28 =	simm.s32 $0x9C00  }
0x150: {  	[hbm4b:s26+s25] =	stream.linear.scatter [tilespmem:s28], [sflag:$0x1], $0xE0, $0x38;
	[tilespmem:$0xA280] =	vst v63  }
0x151: {  	s26 =	rddreg [dreg:$0x1c];
	s28 =	simm.s32 $0x9D00  }
0x152: {  	[hbm4b:s26+s25] =	stream.linear.scatter [tilespmem:s28], [sflag:$0x1], $0xE0, $0x38;
	[tilespmem:$0xA280] =	vst v63  }
0x153: {  	s26 =	simm.s32 $0x0  }
0x154: {  	v3 =	vld [tilespmem:s26+$0xA000];
	_ =	sdelay $0x3  }
0x155: {  	v5 =	vld [tilespmem:s26+$0x9E00]  }
0x156: {  	s28 =	simm.s32 $0x10  }
0x157: {  	v6 =	vld [tilespmem:s28+$0xA000]  }
0x158: {  	v4 =	vld [tilespmem:s28+$0x9E00]  }
0x159: {  	v10 =	vld.idx.msk [tilespmem:v3+s20+$0x0], $0xffff  }
0x15a: {  	v9 =	vld.idx.msk [tilespmem:v3+s3+$0x0], $0xffff  }
0x15b: {  	v12 =	vld.idx.msk [tilespmem:v3+s19+$0x0], $0xffff  }
0x15c: {  	v8 =	vld.idx.msk [tilespmem:v3+s21+$0x0], $0xffff  }
0x15d: {  	v7 =	vld.idx.msk [tilespmem:v5+s6+$0x0], $0xffff  }
0x15e: {  	v11 =	vld.idx.msk [tilespmem:v5+s9+$0x0], $0xffff  }
0x15f: {  	v13 =	vld.idx.msk [tilespmem:v5+s8+$0x0], $0xffff  }
0x160: {  	v14 =	vld.idx.msk [tilespmem:v5+s12+$0x0], $0xffff  }
0x161: {  	v15 =	vld.idx.msk [tilespmem:v5+s11+$0x0], $0xffff  }
0x162: {  	v16 =	vld.idx.msk [tilespmem:v5+s13+$0x0], $0xffff  }
0x163: {  	v17 =	vld.idx.msk [tilespmem:v3+s23+$0x0], $0xffff  }
0x164: {  	v18 =	vld.idx.msk [tilespmem:v5+s10+$0x0], $0xffff  }
0x165: {  	v19 =	vld.idx.msk [tilespmem:v5+s7+$0x0], $0xffff  }
0x166: {  	v20 =	vld.idx.msk [tilespmem:v3+s22+$0x0], $0xffff  }
0x167: {  	v58 =	vld.idx.msk [tilespmem:v5+s14+$0x0], $0xffff  }
0x168: {  	v59 =	vld.idx.msk [tilespmem:v5+s16+$0x0], $0xffff  }
0x169: {  	v60 =	vld.idx.msk [tilespmem:v5+s17+$0x0], $0xffff  }
0x16a: {  	v61 =	vld.idx.msk [tilespmem:v5+s18+$0x0], $0xffff  }
0x16b: {  	v3 =	vld.idx.msk [tilespmem:v6+s20+$0x0], $0xffff;
	v62 =	vmul.f32 v7, v8;
	v19 =	vmul.f32 v19, v20  }
0x16c: {  	v5 =	vld.idx.msk [tilespmem:v6+s19+$0x0], $0xffff;
	v11 =	vmul.f32 v11, v8;
	v18 =	vmul.f32 v18, v20  }
0x16d: {  	v7 =	vld.idx.msk [tilespmem:v6+s3+$0x0], $0xffff;
	v13 =	vmul.f32 v13, v17;
	v19 =	vadd.f32 v19, v62  }
0x16e: {  	v14 =	vmul.f32 v14, v8;
	v16 =	vmul.f32 v16, v20;
	v8 =	vld.idx.msk [tilespmem:v6+s21+$0x0], $0xffff;
	v11 =	vadd.f32 v18, v11  }
0x16f: {  	v15 =	vmul.f32 v15, v17;
	v20 =	vld.idx.msk [tilespmem:v4+s6+$0x0], $0xffff;
	v18 =	vsub.f32 v59, v9;
	v13 =	vadd.f32 v13, v19  }
0x170: {  	v17 =	vmul.f32 v58, v17;
	v12 =	vsub.f32 v60, v12;
	v14 =	vadd.f32 v16, v14;
	v9 =	vld.idx.msk [tilespmem:v4+s9+$0x0], $0xffff  }
0x171: {  	v16 =	vld.idx.msk [tilespmem:v4+s12+$0x0], $0xffff;
	v15 =	vadd.f32 v15, v11;
	v13 =	vadd.f32 v13, v18  }
0x172: {  	v10 =	vsub.f32 v61, v10;
	v11 =	vld.idx.msk [tilespmem:v4+s8+$0x0], $0xffff;
	v17 =	vadd.f32 v17, v14  }
0x173: {  	v14 =	vld.idx.msk [tilespmem:v4+s11+$0x0], $0xffff;
	v18 =	vadd.f32 v15, v12;
	v19 =	vmul.f32 v13, v13  }
0x174: {  	v63 =	vimm.f32 $0.0e+00;
	v15 =	vadd.f32 v17, v10;
	v12 =	vld.idx.msk [tilespmem:v4+s13+$0x0], $0xffff  }
0x175: {  	s25 =	simm.s32 $0x80;
	v10 =	vld.idx.msk [tilespmem:v6+s23+$0x0], $0xffff;
	v13 =	vmul.f32 v20, v8;
	v18 =	vmul.f32 v18, v18;
	v17 =	vadd.f32 v19, v63  }
.LBB2_6:
0x176: {  	s26 =	sshra.s32 s25, $0x2;
	p0 =	sne.s32 s25, $0x600;
	s25 =	sadd.s32 $0x40, s25;
	v19 =	vld.idx.msk [tilespmem:v4+s10+$0x0], $0xffff  }
0x177: {  	v15 =	vmul.f32 v15, v15;
	v20 =	vld [tilespmem:s26+$0xA000];
	v17 =	vadd.f32 v18, v17  }
0x178: {  	v16 =	vmul.f32 v16, v8;
	v18 =	vld.idx.msk [tilespmem:v4+s7+$0x0], $0xffff  }
0x179: {  	v21 =	vld.idx.msk [tilespmem:v6+s22+$0x0], $0xffff;
	v17 =	vadd.f32 v15, v17  }
0x17a: {  	v15 =	vld [tilespmem:s26+$0x9E00]  }
0x17b: {  	v11 =	vmul.f32 v11, v10;
	v14 =	vmul.f32 v14, v10;
	v22 =	vld.idx.msk [tilespmem:v4+s14+$0x0], $0xffff  }
0x17c: {  	v23 =	vld.idx.msk [tilespmem:v4+s16+$0x0], $0xffff;
	v6 =	vmov v20  }
0x17d: {  	v24 =	vld.idx.msk [tilespmem:v4+s17+$0x0], $0xffff  }
0x17e: {  	v8 =	vmul.f32 v9, v8;
	v25 =	vld.idx.msk [tilespmem:v4+s18+$0x0], $0xffff  }
0x17f: {  	v9 =	vmul.f32 v18, v21;
	v18 =	vmul.f32 v19, v21;
	v26 =	vld.idx.msk [tilespmem:v20+s20+$0x0], $0xffff;
	v4 =	vmov v15  }
0x180: {  	v12 =	vmul.f32 v12, v21;
	v19 =	vld.idx.msk [tilespmem:v20+s3+$0x0], $0xffff  }
0x181: {  	v9 =	vadd.f32 v9, v13;
	v13 =	vadd.f32 v18, v8;
	v10 =	vmul.f32 v22, v10;
	v20 =	vld.idx.msk [tilespmem:v20+s19+$0x0], $0xffff  }
0x182: {  	v12 =	vadd.f32 v12, v16;
	v7 =	vsub.f32 v23, v7;
	v8 =	vld.idx.msk [tilespmem:v6+s21+$0x0], $0xffff  }
0x183: {  	v13 =	vadd.f32 v14, v13;
	v18 =	vld.idx.msk [tilespmem:v15+s6+$0x0], $0xffff;
	v15 =	vadd.f32 v11, v9  }
0x184: {  	v10 =	vadd.f32 v10, v12;
	v14 =	vsub.f32 v25, v3;
	v9 =	vld.idx.msk [tilespmem:v4+s9+$0x0], $0xffff  }
.Ltmp3:
0x185: {  	v22 =	vsub.f32 v24, v5;
	v3 =	vmov v26;
	v11 =	vld.idx.msk [tilespmem:v4+s8+$0x0], $0xffff;
	v12 =	vadd.f32 v15, v7;
	(pc) =	sbr.rel @p0 .LBB2_6-.Ltmp3, $4  }
0x186: {  	v15 =	vadd.f32 v10, v14;
	v7 =	vmov v19;
	v16 =	vld.idx.msk [tilespmem:v4+s12+$0x0], $0xffff  }
0x187: {  	v19 =	vadd.f32 v13, v22;
	v5 =	vmov v20;
	v14 =	vld.idx.msk [tilespmem:v4+s11+$0x0], $0xffff;
	v21 =	vmul.f32 v12, v12  }
0x188: {  	v12 =	vld.idx.msk [tilespmem:v4+s13+$0x0], $0xffff  }
0x189: {  	v13 =	vmul.f32 v18, v8;
	v18 =	vmul.f32 v19, v19;
	v10 =	vld.idx.msk [tilespmem:v6+s23+$0x0], $0xffff;
	v17 =	vadd.f32 v21, v17  }
0x18a: {  	_ =	sdelay $0x3  }
0x18b: {  	v19 =	vld.idx.msk [tilespmem:v4+s7+$0x0], $0xffff  }
0x18c: {  	v6 =	vld.idx.msk [tilespmem:v6+s22+$0x0], $0xffff;
	_ =	sdelay $0x1  }
0x18d: {  	v20 =	vld.idx.msk [tilespmem:v4+s10+$0x0], $0xffff  }
0x18e: {  	v21 =	vld.idx.msk [tilespmem:v4+s16+$0x0], $0xffff;
	_ =	sdelay $0x1  }
0x18f: {  	v54 =	vld.idx.msk [tilespmem:v4+s17+$0x0], $0xffff;
	v19 =	vmul.f32 v19, v6  }
0x190: {  	v22 =	vld.idx.msk [tilespmem:v4+s14+$0x0], $0xffff;
	v9 =	vmul.f32 v9, v8;
	v17 =	vadd.f32 v18, v17  }
0x191: {  	v56 =	vld.idx.msk [tilespmem:v4+s18+$0x0], $0xffff;
	v11 =	vmul.f32 v11, v10;
	v20 =	vmul.f32 v20, v6;
	v13 =	vadd.f32 v19, v13  }
0x192: {  	v55 =	vmul.f32 v16, v8;
	v6 =	vmul.f32 v12, v6;
	v7 =	vsub.f32 v21, v7  }
0x193: {  	v14 =	vmul.f32 v14, v10;
	v9 =	vadd.f32 v20, v9;
	v11 =	vadd.f32 v11, v13  }
0x194: {  	v57 =	vmul.f32 v15, v15;
	v5 =	vsub.f32 v54, v5;
	v6 =	vadd.f32 v6, v55  }
0x195: {  	v59 =	vmul.f32 v22, v10;
	v58 =	vadd.f32 v14, v9;
	v7 =	vadd.f32 v11, v7  }
0x196: {  	v60 =	vadd.f32 v57, v17;
	v3 =	vsub.f32 v56, v3  }
0x197: {  	v61 =	vadd.f32 v59, v6;
	v5 =	vadd.f32 v58, v5;
	v62 =	vmul.f32 v7, v7;
	_ =	sdelay $0x1  }
0x198: {  	v3 =	vadd.f32 v61, v3;
	v5 =	vmul.f32 v5, v5;
	v63 =	vadd.f32 v62, v60;
	_ =	sdelay $0x1  }
0x199: {  	v3 =	vmul.f32 v3, v3;
	v4 =	vadd.f32 v5, v63;
	_ =	sdelay $0x1  }
0x19a: {  	v3 =	vadd.f32 v3, v4;
	_ =	sdelay $0x1  }
0x19b: {  	s25 =	simm.s32 $0xA200;
	[tilespmem:$0xA200] =	vst v3  }
0x19c: {  	[hbm4b:s30+s2] =	stream.linear.scatter [tilespmem:s25], [sflag:$0x1], $0x80, $0x38;
	[tilespmem:$0xA280] =	vst v63  }
0x19d: {  	_ =	swait.ge [sflag:s15], $0xE0  }
0x19e: {  	[sflag:s15] =	ssyncset.done $0x0  }
0x19f: {  	[sflag:s15] =	ssyncadd.s32 $0xFFFFFF20  }
0x1a0: {  	_ =	swait.ge [sflag:s15], $0xE0  }
0x1a1: {  	[sflag:s15] =	ssyncset.done $0x0  }
0x1a2: {  	s24 =	sadd.s32 $0x1, s24;
	[sflag:s15] =	ssyncadd.s32 $0xFFFFFF20  }
0x1a3: {  	p0 =	sne.s32 s24, s31;
	_ =	swait.ge [sflag:s15], $0xE0  }
.Ltmp4:
0x1a4: {  	[sflag:s15] =	ssyncset.done $0x0;
	(pc) =	sbr.rel @p0 .LBB2_1-.Ltmp4, $4  }
0x1a5: {  	[sflag:s15] =	ssyncadd.s32 $0xFFFFFF20  }
0x1a6: {  	_ =	swait.ge [sflag:s15], $0x80  }
0x1a7: {  	[sflag:s15] =	ssyncset.done $0x0  }
0x1a8: {  	[sflag:s15] =	ssyncadd.s32 $0xFFFFFF80  }
0x1a9: {  	_ =	sfence.sel $0x180000  }
0x1aa: {  	[bflag:$0x0] =	sbarrier.arrive $0xFFFF  }
0x1ab: {  	_ =	strace $0x90000047  }
0x1ac: {  	s0 =	stileid.u32;
	[bflag:$0x2] =	sbarrier.arrive $0xFFFF  }
0x1ad: {  	p0 =	sne.s32 s0, $0x0;
	s0 =	rddreg [dreg:$0x2]  }
0x1ae: {  	s0 =	sadd.s32 @!p0 $0x100000, s0  }
0x1af: {  	[sflag:s0] =	ssyncadd.tile.s32 @!p0 $0x1;
	_ =	shalt  }
.Lfunc_end2:
_tile_overlayer_lowered:
.L_overlay_start_2:
0x1b0: {  	(tag) =	ssettag $0x2  }
0x1b1: {  	s0 =	rddreg [dreg:$0x0];
	s2 =	stileid.u32  }
0x1b2: {  	s1 =	rddreg [dreg:$0x1];
	p0 =	sne.s32 s2, $0x0  }
0x1b3: {  	s3 =	rddreg [dreg:$0x2];
	[bflag:$0x3] =	sbarrier.arrive $0xFFFF;
	s2 =	simm.s32 @!p0 $0x1C02  }
0x1b4: {  	[timem:s3], [sflag:s2] =	dma.local @!p0 [hbm:s0], s1  }
0x1b5: {  	s0 =	simm.s32 @!p0 $0x2  }
0x1b6: {  	_ =	swait.ge @!p0 [sflag:s0], s1  }
0x1b7: {  	s1 =	ssub.s32 @!p0 $0x0, s1;
	[sflag:s0] =	ssyncset.done @!p0 $0x0  }
0x1b8: {  	[sflag:s0] =	ssyncadd.s32 @!p0 s1  }
0x1b9: {  	[bflag:$0x3] =	sbarrier.arrive $0xFFFF  }
0x1ba: {  	_ =	shalt  }

</sc_bundles>
